<compile_context>
chip_gen: v7x
topology: tpu7x:2x2x1
jax: 0.10.2.dev20260603
libtpu: 0.0.44.dev20260713+nightly
codegen_flags: <defaults>
</compile_context>

<pallas_src>
import functools

import jax
import jax.numpy as jnp
from jax import lax
from jax.experimental import pallas as pl
from jax.experimental.pallas import tpu as pltpu
from jax.experimental.pallas import tpu_sc as plsc

_B = 4096
_L = 200
_D = 64
_NC = 2
_NS = 16
_NW = _NC * _NS
_ROWS_W = _B // _NW
_CHUNK = 100
_CPR = _L // _CHUNK
_NCHUNK = _ROWS_W * _CPR
_NBUF = 4


def _sumsq_sc(ids2, table):
    mesh = plsc.VectorSubcoreMesh(core_axis_name="c", subcore_axis_name="s")

    @functools.partial(
        pl.kernel,
        out_type=jax.ShapeDtypeStruct((_B, _D), jnp.float32),
        mesh=mesh,
        compiler_params=pltpu.CompilerParams(use_tc_tiling_on_sc=False),
        scratch_types=(
            [
                pltpu.VMEM((_NCHUNK, _CHUNK), jnp.int32),
                pltpu.VMEM((_ROWS_W, _D), jnp.float32),
            ]
            + [pltpu.VMEM((_CHUNK, _D), jnp.float32) for _ in range(_NBUF)]
            + [pltpu.SemaphoreType.DMA for _ in range(_NBUF)]
        ),
    )
    def k(ids_hbm, tab_hbm, out_hbm, ids_v, out_v, b0, b1, b2, b3, s0, s1, s2, s3):
        bufs = (b0, b1, b2, b3)
        sems = (s0, s1, s2, s3)
        wid = lax.axis_index("s") * _NC + lax.axis_index("c")
        pltpu.sync_copy(ids_hbm.at[pl.ds(wid * _NCHUNK, _NCHUNK)], ids_v)

        def start(c, b):
            pltpu.make_async_copy(tab_hbm.at[ids_v.at[c]], bufs[b], sems[b]).start()

        def wait(c, b):
            pltpu.make_async_copy(tab_hbm.at[ids_v.at[c]], bufs[b], sems[b]).wait()

        for b in range(_NBUF):
            start(b, b)

        def accum(buf, acc):
            def step(l, a):
                new = []
                for j in range(_D // 16):
                    x = buf[l, pl.ds(16 * j, 16)]
                    new.append(a[j] + x * x)
                return tuple(new)
            return lax.fori_loop(0, _CHUNK, step, acc, unroll=4)

        zeros = tuple(jnp.zeros((16,), jnp.float32) for _ in range(_D // 16))

        def group(gi, carry):
            g = gi * _NBUF
            for b in range(0, _NBUF, _CPR):
                acc = zeros
                for h in range(_CPR):
                    c = g + b + h
                    wait(c, b + h)
                    acc = accum(bufs[b + h], acc)

                    @pl.when(c + _NBUF < _NCHUNK)
                    def _():
                        start(c + _NBUF, b + h)

                row = gi * (_NBUF // _CPR) + b // _CPR
                for j in range(_D // 16):
                    out_v[row, pl.ds(16 * j, 16)] = acc[j]
            return carry

        lax.fori_loop(0, _NCHUNK // _NBUF, group, 0)
        pltpu.sync_copy(out_v, out_hbm.at[pl.ds(wid * _ROWS_W, _ROWS_W)])

    return k(ids2, table)


def _dense_tc(z3, w):
    def body(x_ref, w_ref, o_ref):
        o_ref[...] = jnp.dot(x_ref[...], w_ref[...],
                             preferred_element_type=jnp.float32)

    return pl.pallas_call(
        body,
        grid=(4,),
        in_specs=[
            pl.BlockSpec((_B // 4, _D), lambda i: (i, 0)),
            pl.BlockSpec((_D, _D), lambda i: (0, 0)),
        ],
        out_specs=pl.BlockSpec((_B // 4, _D), lambda i: (i, 0)),
        out_shape=jax.ShapeDtypeStruct((_B, _D), jnp.float32),
    )(z3, w)


def kernel(input_ids, attention_mask, embedding_table, dense_kernel):
    del attention_mask
    ids2 = input_ids.astype(jnp.int32).reshape(_B * _CPR, _CHUNK)
    z3 = _sumsq_sc(ids2, embedding_table)
    return _dense_tc(z3, dense_kernel)

# --- scband reference (transcript-rebuilt; emitter-appended) ---
"""Pipeline reference for scband-simple-test-model-84009560310204 (READ-ONLY COPY).

The authoritative reference and input builder live on the scoring server;
editing this copy changes nothing except your own understanding.
"""

import jax, jax.numpy as jnp
import numpy as np

VOCAB = 100000
EMBED_DIM = 64
UNITS = 64
BATCH = 4096
SEQ = 200


def setup_inputs(seed: int = 0) -> dict:
    key = jax.random.key(seed)
    k_ids, k_tab, k_w = jax.random.split(key, 3)
    input_ids = jax.random.randint(k_ids, (BATCH, SEQ), 0, VOCAB, dtype=jnp.int64 if jax.config.jax_enable_x64 else jnp.int32)
    attention_mask = jnp.ones((BATCH, SEQ), dtype=jnp.int32)
    embedding_table = jax.random.normal(k_tab, (VOCAB, EMBED_DIM), dtype=jnp.float32) * 0.02
    dense_kernel = jax.random.normal(k_w, (EMBED_DIM, UNITS), dtype=jnp.float32) * 0.02
    return {
        'input_ids': input_ids,
        'attention_mask': attention_mask,
        'embedding_table': embedding_table,
        'dense_kernel': dense_kernel,
    }


def reference(input_ids, attention_mask, embedding_table, dense_kernel):
    # SimpleTestModel.call with a TokenizedDict input:
    # inputs_embeds: embedding lookup (gather)
    z1 = jnp.take(embedding_table, input_ids, axis=0)  # [B, L, D]
    # attention_mask is carried through the EmbeddingDict but unused in the math
    z2 = z1 * z1                                       # [B, L, D]
    z3 = jnp.sum(z2, axis=1)                           # [B, D]  (reduce over sequence axis=1)
    z4 = z3 @ dense_kernel                             # [B, UNITS] (Dense, no bias)
    return z4

if __name__ == "__main__":
    import jax
    _d = setup_inputs()
    print(jax.jit(kernel)(*tuple(_d.values())))

</pallas_src>

<mosaic_0001>
#map = affine_map<(d0, d1) -> (0, 0)>
module attributes {stable_mosaic.version = 14 : i64} {
  func.func @k(%arg0: i32, %arg1: i32, %arg2: memref<8192x100xi32, #tpu.memory_space<hbm>>, %arg3: memref<100000x64xf32, #tpu.memory_space<hbm>>, %arg4: memref<4096x64xf32, #tpu.memory_space<hbm>>, %arg5: memref<256x100xi32, #tpu.memory_space<vmem>>, %arg6: memref<128x64xf32, #tpu.memory_space<vmem>>, %arg7: memref<100x64xf32, #tpu.memory_space<vmem>>, %arg8: memref<100x64xf32, #tpu.memory_space<vmem>>, %arg9: memref<100x64xf32, #tpu.memory_space<vmem>>, %arg10: memref<100x64xf32, #tpu.memory_space<vmem>>, %arg11: memref<!tpu.dma_semaphore, #tpu.memory_space<semaphore_mem>>, %arg12: memref<!tpu.dma_semaphore, #tpu.memory_space<semaphore_mem>>, %arg13: memref<!tpu.dma_semaphore, #tpu.memory_space<semaphore_mem>>, %arg14: memref<!tpu.dma_semaphore, #tpu.memory_space<semaphore_mem>>) attributes {dimension_semantics = [#tpu.dimension_semantics<core_parallel>, #tpu.dimension_semantics<subcore_parallel>], iteration_bounds = array<i64: 2, 16>, scalar_prefetch = 0 : i64, scratch_operands = 10 : i64, tpu.core_type = #tpu.core_type<sc_vector_subcore>, window_params = [{transform_indices = #map}, {transform_indices = #map}, {transform_indices = #map}]} {
    %mul3A = arith.constant 2 : i32
    %mul3A_0 = arith.muli %arg1, %mul3A : i32
    %add3A = arith.addi %mul3A_0, %arg0 : i32
    %mul3A_1 = arith.constant 256 : i32
    %mul3A_2 = arith.muli %add3A, %mul3A_1 : i32
    "tpu.region"() ({
      %run_scoped3A = tpu.sem_alloc : memref<!tpu.dma_semaphore, #tpu.memory_space<semaphore_mem>>
      %dma_start3A_44 = arith.constant 0 : i32
      %dma_start3A_45 = tpu.memref_slice %arg2[%mul3A_2, %dma_start3A_44] : memref<8192x100xi32, #tpu.memory_space<hbm>> -> memref<256x100xi32, #tpu.memory_space<hbm>>
      %dma_start3A_46 = arith.constant 0 : i32
      %dma_start3A_47 = tpu.memref_slice %arg2[%mul3A_2, %dma_start3A_46] : memref<8192x100xi32, #tpu.memory_space<hbm>> -> memref<256x100xi32, #tpu.memory_space<hbm>>
      tpu.enqueue_dma source(%dma_start3A_47 : memref<256x100xi32, #tpu.memory_space<hbm>>) target(%arg5 : memref<256x100xi32, #tpu.memory_space<vmem>>) target_semaphore(%run_scoped3A : memref<!tpu.dma_semaphore, #tpu.memory_space<semaphore_mem>>)
      %dma_wait3A = arith.constant 0 : i32
      %dma_wait3A_48 = tpu.memref_slice %arg2[%mul3A_2, %dma_wait3A] : memref<8192x100xi32, #tpu.memory_space<hbm>> -> memref<256x100xi32, #tpu.memory_space<hbm>>
      %dma_wait3A_49 = arith.constant 0 : i32
      %dma_wait3A_50 = tpu.memref_slice %arg2[%mul3A_2, %dma_wait3A_49] : memref<8192x100xi32, #tpu.memory_space<hbm>> -> memref<256x100xi32, #tpu.memory_space<hbm>>
      tpu.wait_dma2 semaphore(%run_scoped3A : memref<!tpu.dma_semaphore, #tpu.memory_space<semaphore_mem>>) src(%dma_wait3A_50 : memref<256x100xi32, #tpu.memory_space<hbm>>) dst(%arg5 : memref<256x100xi32, #tpu.memory_space<vmem>>)
      tpu.yield
    }) : () -> ()
    %dma_start3A = arith.constant 0 : i32
    %dma_start3A_3 = arith.constant 0 : i32
    %dma_start3A_4 = tpu.memref_slice %arg5[%dma_start3A, %dma_start3A_3] : memref<256x100xi32, #tpu.memory_space<vmem>> -> memref<1x100xi32, #tpu.memory_space<vmem>>
    %dma_start3A_5 = tpu.memref_squeeze %dma_start3A_4 : memref<1x100xi32, #tpu.memory_space<vmem>> -> memref<100xi32, #tpu.memory_space<vmem>>
    %dma_start3A_6 = arith.constant 0 : i32
    %dma_start3A_7 = arith.constant 0 : i32
    %dma_start3A_8 = tpu.memref_slice %arg3[%dma_start3A_6, %dma_start3A_7] : memref<100000x64xf32, #tpu.memory_space<hbm>> -> memref<100000x64xf32, #tpu.memory_space<hbm>>
    tpu.enqueue_indirect_dma source(%dma_start3A_8 : memref<100000x64xf32, #tpu.memory_space<hbm>>) target(%arg7 : memref<100x64xf32, #tpu.memory_space<vmem>>) offsets(%dma_start3A_5 : memref<100xi32, #tpu.memory_space<vmem>>) semaphore(%arg11 : memref<!tpu.dma_semaphore, #tpu.memory_space<semaphore_mem>>)
    %dma_start3A_9 = arith.constant 1 : i32
    %dma_start3A_10 = arith.constant 0 : i32
    %dma_start3A_11 = tpu.memref_slice %arg5[%dma_start3A_9, %dma_start3A_10] : memref<256x100xi32, #tpu.memory_space<vmem>> -> memref<1x100xi32, #tpu.memory_space<vmem>>
    %dma_start3A_12 = tpu.memref_squeeze %dma_start3A_11 : memref<1x100xi32, #tpu.memory_space<vmem>> -> memref<100xi32, #tpu.memory_space<vmem>>
    %dma_start3A_13 = arith.constant 0 : i32
    %dma_start3A_14 = arith.constant 0 : i32
    %dma_start3A_15 = tpu.memref_slice %arg3[%dma_start3A_13, %dma_start3A_14] : memref<100000x64xf32, #tpu.memory_space<hbm>> -> memref<100000x64xf32, #tpu.memory_space<hbm>>
    tpu.enqueue_indirect_dma source(%dma_start3A_15 : memref<100000x64xf32, #tpu.memory_space<hbm>>) target(%arg8 : memref<100x64xf32, #tpu.memory_space<vmem>>) offsets(%dma_start3A_12 : memref<100xi32, #tpu.memory_space<vmem>>) semaphore(%arg12 : memref<!tpu.dma_semaphore, #tpu.memory_space<semaphore_mem>>)
    %dma_start3A_16 = arith.constant 2 : i32
    %dma_start3A_17 = arith.constant 0 : i32
    %dma_start3A_18 = tpu.memref_slice %arg5[%dma_start3A_16, %dma_start3A_17] : memref<256x100xi32, #tpu.memory_space<vmem>> -> memref<1x100xi32, #tpu.memory_space<vmem>>
    %dma_start3A_19 = tpu.memref_squeeze %dma_start3A_18 : memref<1x100xi32, #tpu.memory_space<vmem>> -> memref<100xi32, #tpu.memory_space<vmem>>
    %dma_start3A_20 = arith.constant 0 : i32
    %dma_start3A_21 = arith.constant 0 : i32
    %dma_start3A_22 = tpu.memref_slice %arg3[%dma_start3A_20, %dma_start3A_21] : memref<100000x64xf32, #tpu.memory_space<hbm>> -> memref<100000x64xf32, #tpu.memory_space<hbm>>
    tpu.enqueue_indirect_dma source(%dma_start3A_22 : memref<100000x64xf32, #tpu.memory_space<hbm>>) target(%arg9 : memref<100x64xf32, #tpu.memory_space<vmem>>) offsets(%dma_start3A_19 : memref<100xi32, #tpu.memory_space<vmem>>) semaphore(%arg13 : memref<!tpu.dma_semaphore, #tpu.memory_space<semaphore_mem>>)
    %dma_start3A_23 = arith.constant 3 : i32
    %dma_start3A_24 = arith.constant 0 : i32
    %dma_start3A_25 = tpu.memref_slice %arg5[%dma_start3A_23, %dma_start3A_24] : memref<256x100xi32, #tpu.memory_space<vmem>> -> memref<1x100xi32, #tpu.memory_space<vmem>>
    %dma_start3A_26 = tpu.memref_squeeze %dma_start3A_25 : memref<1x100xi32, #tpu.memory_space<vmem>> -> memref<100xi32, #tpu.memory_space<vmem>>
    %dma_start3A_27 = arith.constant 0 : i32
    %dma_start3A_28 = arith.constant 0 : i32
    %dma_start3A_29 = tpu.memref_slice %arg3[%dma_start3A_27, %dma_start3A_28] : memref<100000x64xf32, #tpu.memory_space<hbm>> -> memref<100000x64xf32, #tpu.memory_space<hbm>>
    tpu.enqueue_indirect_dma source(%dma_start3A_29 : memref<100000x64xf32, #tpu.memory_space<hbm>>) target(%arg10 : memref<100x64xf32, #tpu.memory_space<vmem>>) offsets(%dma_start3A_26 : memref<100xi32, #tpu.memory_space<vmem>>) semaphore(%arg14 : memref<!tpu.dma_semaphore, #tpu.memory_space<semaphore_mem>>)
    %broadcast_in_dim3A = arith.constant 0.000000e+00 : f32
    %broadcast_in_dim3A_30 = vector.broadcast %broadcast_in_dim3A : f32 to vector<16xf32>
    %broadcast_in_dim3A_31 = arith.constant 0.000000e+00 : f32
    %broadcast_in_dim3A_32 = vector.broadcast %broadcast_in_dim3A_31 : f32 to vector<16xf32>
    %broadcast_in_dim3A_33 = arith.constant 0.000000e+00 : f32
    %broadcast_in_dim3A_34 = vector.broadcast %broadcast_in_dim3A_33 : f32 to vector<16xf32>
    %broadcast_in_dim3A_35 = arith.constant 0.000000e+00 : f32
    %broadcast_in_dim3A_36 = vector.broadcast %broadcast_in_dim3A_35 : f32 to vector<16xf32>
    %scan3A = arith.constant 0 : i32
    %scan3A_37 = arith.constant 0 : i32
    %scan3A_38 = arith.constant 64 : i32
    %scan3A_39 = arith.addi %scan3A_37, %scan3A_38 : i32
    %scan3A_40 = arith.constant 1 : i32
    scf.for %scan3A_44 = %scan3A_37 to %scan3A_39 step %scan3A_40  : i32 {
      %mul3A_45 = arith.constant 4 : i32
      %mul3A_46 = arith.muli %scan3A_44, %mul3A_45 : i32
      %add3A_47 = arith.constant 0 : i32
      %add3A_48 = arith.addi %mul3A_46, %add3A_47 : i32
      %add3A_49 = arith.constant 0 : i32
      %add3A_50 = arith.addi %add3A_48, %add3A_49 : i32
      %dma_wait3A = arith.constant 0 : i32
      %dma_wait3A_51 = tpu.memref_slice %arg5[%add3A_50, %dma_wait3A] : memref<256x100xi32, #tpu.memory_space<vmem>> -> memref<1x100xi32, #tpu.memory_space<vmem>>
      %dma_wait3A_52 = tpu.memref_squeeze %dma_wait3A_51 : memref<1x100xi32, #tpu.memory_space<vmem>> -> memref<100xi32, #tpu.memory_space<vmem>>
      %dma_wait3A_53 = arith.constant 0 : i32
      %dma_wait3A_54 = arith.constant 0 : i32
      %dma_wait3A_55 = tpu.memref_slice %arg3[%dma_wait3A_53, %dma_wait3A_54] : memref<100000x64xf32, #tpu.memory_space<hbm>> -> memref<100000x64xf32, #tpu.memory_space<hbm>>
      tpu.wait_indirect_dma semaphore(%arg11 : memref<!tpu.dma_semaphore, #tpu.memory_space<semaphore_mem>>) src(%dma_wait3A_55 : memref<100000x64xf32, #tpu.memory_space<hbm>>) dst(%arg7 : memref<100x64xf32, #tpu.memory_space<vmem>>)
      %scan3A_56 = arith.constant 0 : i32
      %scan3A_57 = arith.constant 100 : i32
      %scan3A_58 = arith.addi %scan3A_56, %scan3A_57 : i32
      %scan3A_59 = arith.constant 4 : i32
      %scan3A_60:4 = scf.for %scan3A_182 = %scan3A_56 to %scan3A_58 step %scan3A_59 iter_args(%scan3A_183 = %broadcast_in_dim3A_30, %scan3A_184 = %broadcast_in_dim3A_32, %scan3A_185 = %broadcast_in_dim3A_34, %scan3A_186 = %broadcast_in_dim3A_36) -> (vector<16xf32>, vector<16xf32>, vector<16xf32>, vector<16xf32>)  : i32 {
        %get3A = arith.index_cast %scan3A_182 : i32 to index
        %get3A_187 = arith.constant 0 : index
        %get3A_188 = tpu.vector_load %arg7[%get3A, %get3A_187] {strides = array<i32>} : memref<100x64xf32, #tpu.memory_space<vmem>>, vector<1x16xf32>,
        %get3A_189 = vector.shape_cast %get3A_188 : vector<1x16xf32> to vector<16xf32>
        %mul3A_190 = arith.mulf %get3A_189, %get3A_189 : vector<16xf32>
        %add3A_191 = arith.addf %scan3A_183, %mul3A_190 : vector<16xf32>
        %get3A_192 = arith.index_cast %scan3A_182 : i32 to index
        %get3A_193 = arith.constant 16 : index
        %get3A_194 = tpu.vector_load %arg7[%get3A_192, %get3A_193] {strides = array<i32>} : memref<100x64xf32, #tpu.memory_space<vmem>>, vector<1x16xf32>,
        %get3A_195 = vector.shape_cast %get3A_194 : vector<1x16xf32> to vector<16xf32>
        %mul3A_196 = arith.mulf %get3A_195, %get3A_195 : vector<16xf32>
        %add3A_197 = arith.addf %scan3A_184, %mul3A_196 : vector<16xf32>
        %get3A_198 = arith.index_cast %scan3A_182 : i32 to index
        %get3A_199 = arith.constant 32 : index
        %get3A_200 = tpu.vector_load %arg7[%get3A_198, %get3A_199] {strides = array<i32>} : memref<100x64xf32, #tpu.memory_space<vmem>>, vector<1x16xf32>,
        %get3A_201 = vector.shape_cast %get3A_200 : vector<1x16xf32> to vector<16xf32>
        %mul3A_202 = arith.mulf %get3A_201, %get3A_201 : vector<16xf32>
        %add3A_203 = arith.addf %scan3A_185, %mul3A_202 : vector<16xf32>
        %get3A_204 = arith.index_cast %scan3A_182 : i32 to index
        %get3A_205 = arith.constant 48 : index
        %get3A_206 = tpu.vector_load %arg7[%get3A_204, %get3A_205] {strides = array<i32>} : memref<100x64xf32, #tpu.memory_space<vmem>>, vector<1x16xf32>,
        %get3A_207 = vector.shape_cast %get3A_206 : vector<1x16xf32> to vector<16xf32>
        %mul3A_208 = arith.mulf %get3A_207, %get3A_207 : vector<16xf32>
        %add3A_209 = arith.addf %scan3A_186, %mul3A_208 : vector<16xf32>
        %scan3A_210 = arith.constant 1 : i32
        %scan3A_211 = arith.addi %scan3A_182, %scan3A_210 : i32
        %get3A_212 = arith.index_cast %scan3A_211 : i32 to index
        %get3A_213 = arith.constant 0 : index
        %get3A_214 = tpu.vector_load %arg7[%get3A_212, %get3A_213] {strides = array<i32>} : memref<100x64xf32, #tpu.memory_space<vmem>>, vector<1x16xf32>,
        %get3A_215 = vector.shape_cast %get3A_214 : vector<1x16xf32> to vector<16xf32>
        %mul3A_216 = arith.mulf %get3A_215, %get3A_215 : vector<16xf32>
        %add3A_217 = arith.addf %add3A_191, %mul3A_216 : vector<16xf32>
        %get3A_218 = arith.index_cast %scan3A_211 : i32 to index
        %get3A_219 = arith.constant 16 : index
        %get3A_220 = tpu.vector_load %arg7[%get3A_218, %get3A_219] {strides = array<i32>} : memref<100x64xf32, #tpu.memory_space<vmem>>, vector<1x16xf32>,
        %get3A_221 = vector.shape_cast %get3A_220 : vector<1x16xf32> to vector<16xf32>
        %mul3A_222 = arith.mulf %get3A_221, %get3A_221 : vector<16xf32>
        %add3A_223 = arith.addf %add3A_197, %mul3A_222 : vector<16xf32>
        %get3A_224 = arith.index_cast %scan3A_211 : i32 to index
        %get3A_225 = arith.constant 32 : index
        %get3A_226 = tpu.vector_load %arg7[%get3A_224, %get3A_225] {strides = array<i32>} : memref<100x64xf32, #tpu.memory_space<vmem>>, vector<1x16xf32>,
        %get3A_227 = vector.shape_cast %get3A_226 : vector<1x16xf32> to vector<16xf32>
        %mul3A_228 = arith.mulf %get3A_227, %get3A_227 : vector<16xf32>
        %add3A_229 = arith.addf %add3A_203, %mul3A_228 : vector<16xf32>
        %get3A_230 = arith.index_cast %scan3A_211 : i32 to index
        %get3A_231 = arith.constant 48 : index
        %get3A_232 = tpu.vector_load %arg7[%get3A_230, %get3A_231] {strides = array<i32>} : memref<100x64xf32, #tpu.memory_space<vmem>>, vector<1x16xf32>,
        %get3A_233 = vector.shape_cast %get3A_232 : vector<1x16xf32> to vector<16xf32>
        %mul3A_234 = arith.mulf %get3A_233, %get3A_233 : vector<16xf32>
        %add3A_235 = arith.addf %add3A_209, %mul3A_234 : vector<16xf32>
        %scan3A_236 = arith.constant 2 : i32
        %scan3A_237 = arith.addi %scan3A_182, %scan3A_236 : i32
        %get3A_238 = arith.index_cast %scan3A_237 : i32 to index
        %get3A_239 = arith.constant 0 : index
        %get3A_240 = tpu.vector_load %arg7[%get3A_238, %get3A_239] {strides = array<i32>} : memref<100x64xf32, #tpu.memory_space<vmem>>, vector<1x16xf32>,
        %get3A_241 = vector.shape_cast %get3A_240 : vector<1x16xf32> to vector<16xf32>
        %mul3A_242 = arith.mulf %get3A_241, %get3A_241 : vector<16xf32>
        %add3A_243 = arith.addf %add3A_217, %mul3A_242 : vector<16xf32>
        %get3A_244 = arith.index_cast %scan3A_237 : i32 to index
        %get3A_245 = arith.constant 16 : index
        %get3A_246 = tpu.vector_load %arg7[%get3A_244, %get3A_245] {strides = array<i32>} : memref<100x64xf32, #tpu.memory_space<vmem>>, vector<1x16xf32>,
        %get3A_247 = vector.shape_cast %get3A_246 : vector<1x16xf32> to vector<16xf32>
        %mul3A_248 = arith.mulf %get3A_247, %get3A_247 : vector<16xf32>
        %add3A_249 = arith.addf %add3A_223, %mul3A_248 : vector<16xf32>
        %get3A_250 = arith.index_cast %scan3A_237 : i32 to index
        %get3A_251 = arith.constant 32 : index
        %get3A_252 = tpu.vector_load %arg7[%get3A_250, %get3A_251] {strides = array<i32>} : memref<100x64xf32, #tpu.memory_space<vmem>>, vector<1x16xf32>,
        %get3A_253 = vector.shape_cast %get3A_252 : vector<1x16xf32> to vector<16xf32>
        %mul3A_254 = arith.mulf %get3A_253, %get3A_253 : vector<16xf32>
        %add3A_255 = arith.addf %add3A_229, %mul3A_254 : vector<16xf32>
        %get3A_256 = arith.index_cast %scan3A_237 : i32 to index
        %get3A_257 = arith.constant 48 : index
        %get3A_258 = tpu.vector_load %arg7[%get3A_256, %get3A_257] {strides = array<i32>} : memref<100x64xf32, #tpu.memory_space<vmem>>, vector<1x16xf32>,
        %get3A_259 = vector.shape_cast %get3A_258 : vector<1x16xf32> to vector<16xf32>
        %mul3A_260 = arith.mulf %get3A_259, %get3A_259 : vector<16xf32>
        %add3A_261 = arith.addf %add3A_235, %mul3A_260 : vector<16xf32>
        %scan3A_262 = arith.constant 3 : i32
        %scan3A_263 = arith.addi %scan3A_182, %scan3A_262 : i32
        %get3A_264 = arith.index_cast %scan3A_263 : i32 to index
        %get3A_265 = arith.constant 0 : index
        %get3A_266 = tpu.vector_load %arg7[%get3A_264, %get3A_265] {strides = array<i32>} : memref<100x64xf32, #tpu.memory_space<vmem>>, vector<1x16xf32>,
        %get3A_267 = vector.shape_cast %get3A_266 : vector<1x16xf32> to vector<16xf32>
        %mul3A_268 = arith.mulf %get3A_267, %get3A_267 : vector<16xf32>
        %add3A_269 = arith.addf %add3A_243, %mul3A_268 : vector<16xf32>
        %get3A_270 = arith.index_cast %scan3A_263 : i32 to index
        %get3A_271 = arith.constant 16 : index
        %get3A_272 = tpu.vector_load %arg7[%get3A_270, %get3A_271] {strides = array<i32>} : memref<100x64xf32, #tpu.memory_space<vmem>>, vector<1x16xf32>,
        %get3A_273 = vector.shape_cast %get3A_272 : vector<1x16xf32> to vector<16xf32>
        %mul3A_274 = arith.mulf %get3A_273, %get3A_273 : vector<16xf32>
        %add3A_275 = arith.addf %add3A_249, %mul3A_274 : vector<16xf32>
        %get3A_276 = arith.index_cast %scan3A_263 : i32 to index
        %get3A_277 = arith.constant 32 : index
        %get3A_278 = tpu.vector_load %arg7[%get3A_276, %get3A_277] {strides = array<i32>} : memref<100x64xf32, #tpu.memory_space<vmem>>, vector<1x16xf32>,
        %get3A_279 = vector.shape_cast %get3A_278 : vector<1x16xf32> to vector<16xf32>
        %mul3A_280 = arith.mulf %get3A_279, %get3A_279 : vector<16xf32>
        %add3A_281 = arith.addf %add3A_255, %mul3A_280 : vector<16xf32>
        %get3A_282 = arith.index_cast %scan3A_263 : i32 to index
        %get3A_283 = arith.constant 48 : index
        %get3A_284 = tpu.vector_load %arg7[%get3A_282, %get3A_283] {strides = array<i32>} : memref<100x64xf32, #tpu.memory_space<vmem>>, vector<1x16xf32>,
        %get3A_285 = vector.shape_cast %get3A_284 : vector<1x16xf32> to vector<16xf32>
        %mul3A_286 = arith.mulf %get3A_285, %get3A_285 : vector<16xf32>
        %add3A_287 = arith.addf %add3A_261, %mul3A_286 : vector<16xf32>
        scf.yield %add3A_269, %add3A_275, %add3A_281, %add3A_287 : vector<16xf32>, vector<16xf32>, vector<16xf32>, vector<16xf32>
      }
      %scan3A_61 = arith.constant 100 : i32
      %add3A_62 = arith.constant 4 : i32
      %add3A_63 = arith.addi %add3A_50, %add3A_62 : i32
      %lt3A = arith.constant 256 : i32
      %lt3A_64 = arith.cmpi slt, %add3A_63, %lt3A : i32
      %convert_element_type3A = arith.extui %lt3A_64 : i1 to i32
      %cond3A = arith.constant 0 : i32
      %cond3A_65 = arith.cmpi ne, %convert_element_type3A, %cond3A : i32
      scf.if %cond3A_65 {
        %add3A_182 = arith.constant 4 : i32
        %add3A_183 = arith.addi %add3A_50, %add3A_182 : i32
        %dma_start3A_184 = arith.constant 0 : i32
        %dma_start3A_185 = tpu.memref_slice %arg5[%add3A_183, %dma_start3A_184] : memref<256x100xi32, #tpu.memory_space<vmem>> -> memref<1x100xi32, #tpu.memory_space<vmem>>
        %dma_start3A_186 = tpu.memref_squeeze %dma_start3A_185 : memref<1x100xi32, #tpu.memory_space<vmem>> -> memref<100xi32, #tpu.memory_space<vmem>>
        %dma_start3A_187 = arith.constant 0 : i32
        %dma_start3A_188 = arith.constant 0 : i32
        %dma_start3A_189 = tpu.memref_slice %arg3[%dma_start3A_187, %dma_start3A_188] : memref<100000x64xf32, #tpu.memory_space<hbm>> -> memref<100000x64xf32, #tpu.memory_space<hbm>>
        tpu.enqueue_indirect_dma source(%dma_start3A_189 : memref<100000x64xf32, #tpu.memory_space<hbm>>) target(%arg7 : memref<100x64xf32, #tpu.memory_space<vmem>>) offsets(%dma_start3A_186 : memref<100xi32, #tpu.memory_space<vmem>>) semaphore(%arg11 : memref<!tpu.dma_semaphore, #tpu.memory_space<semaphore_mem>>)
      } else {
      }
      %add3A_66 = arith.constant 0 : i32
      %add3A_67 = arith.addi %mul3A_46, %add3A_66 : i32
      %add3A_68 = arith.constant 1 : i32
      %add3A_69 = arith.addi %add3A_67, %add3A_68 : i32
      %dma_wait3A_70 = arith.constant 0 : i32
      %dma_wait3A_71 = tpu.memref_slice %arg5[%add3A_69, %dma_wait3A_70] : memref<256x100xi32, #tpu.memory_space<vmem>> -> memref<1x100xi32, #tpu.memory_space<vmem>>
      %dma_wait3A_72 = tpu.memref_squeeze %dma_wait3A_71 : memref<1x100xi32, #tpu.memory_space<vmem>> -> memref<100xi32, #tpu.memory_space<vmem>>
      %dma_wait3A_73 = arith.constant 0 : i32
      %dma_wait3A_74 = arith.constant 0 : i32
      %dma_wait3A_75 = tpu.memref_slice %arg3[%dma_wait3A_73, %dma_wait3A_74] : memref<100000x64xf32, #tpu.memory_space<hbm>> -> memref<100000x64xf32, #tpu.memory_space<hbm>>
      tpu.wait_indirect_dma semaphore(%arg12 : memref<!tpu.dma_semaphore, #tpu.memory_space<semaphore_mem>>) src(%dma_wait3A_75 : memref<100000x64xf32, #tpu.memory_space<hbm>>) dst(%arg8 : memref<100x64xf32, #tpu.memory_space<vmem>>)
      %scan3A_76 = arith.constant 0 : i32
      %scan3A_77 = arith.constant 100 : i32
      %scan3A_78 = arith.addi %scan3A_76, %scan3A_77 : i32
      %scan3A_79 = arith.constant 4 : i32
      %scan3A_80:4 = scf.for %scan3A_182 = %scan3A_76 to %scan3A_78 step %scan3A_79 iter_args(%scan3A_183 = %scan3A_60#0, %scan3A_184 = %scan3A_60#1, %scan3A_185 = %scan3A_60#2, %scan3A_186 = %scan3A_60#3) -> (vector<16xf32>, vector<16xf32>, vector<16xf32>, vector<16xf32>)  : i32 {
        %get3A = arith.index_cast %scan3A_182 : i32 to index
        %get3A_187 = arith.constant 0 : index
        %get3A_188 = tpu.vector_load %arg8[%get3A, %get3A_187] {strides = array<i32>} : memref<100x64xf32, #tpu.memory_space<vmem>>, vector<1x16xf32>,
        %get3A_189 = vector.shape_cast %get3A_188 : vector<1x16xf32> to vector<16xf32>
        %mul3A_190 = arith.mulf %get3A_189, %get3A_189 : vector<16xf32>
        %add3A_191 = arith.addf %scan3A_183, %mul3A_190 : vector<16xf32>
        %get3A_192 = arith.index_cast %scan3A_182 : i32 to index
        %get3A_193 = arith.constant 16 : index
        %get3A_194 = tpu.vector_load %arg8[%get3A_192, %get3A_193] {strides = array<i32>} : memref<100x64xf32, #tpu.memory_space<vmem>>, vector<1x16xf32>,
        %get3A_195 = vector.shape_cast %get3A_194 : vector<1x16xf32> to vector<16xf32>
        %mul3A_196 = arith.mulf %get3A_195, %get3A_195 : vector<16xf32>
        %add3A_197 = arith.addf %scan3A_184, %mul3A_196 : vector<16xf32>
        %get3A_198 = arith.index_cast %scan3A_182 : i32 to index
        %get3A_199 = arith.constant 32 : index
        %get3A_200 = tpu.vector_load %arg8[%get3A_198, %get3A_199] {strides = array<i32>} : memref<100x64xf32, #tpu.memory_space<vmem>>, vector<1x16xf32>,
        %get3A_201 = vector.shape_cast %get3A_200 : vector<1x16xf32> to vector<16xf32>
        %mul3A_202 = arith.mulf %get3A_201, %get3A_201 : vector<16xf32>
        %add3A_203 = arith.addf %scan3A_185, %mul3A_202 : vector<16xf32>
        %get3A_204 = arith.index_cast %scan3A_182 : i32 to index
        %get3A_205 = arith.constant 48 : index
        %get3A_206 = tpu.vector_load %arg8[%get3A_204, %get3A_205] {strides = array<i32>} : memref<100x64xf32, #tpu.memory_space<vmem>>, vector<1x16xf32>,
        %get3A_207 = vector.shape_cast %get3A_206 : vector<1x16xf32> to vector<16xf32>
        %mul3A_208 = arith.mulf %get3A_207, %get3A_207 : vector<16xf32>
        %add3A_209 = arith.addf %scan3A_186, %mul3A_208 : vector<16xf32>
        %scan3A_210 = arith.constant 1 : i32
        %scan3A_211 = arith.addi %scan3A_182, %scan3A_210 : i32
        %get3A_212 = arith.index_cast %scan3A_211 : i32 to index
        %get3A_213 = arith.constant 0 : index
        %get3A_214 = tpu.vector_load %arg8[%get3A_212, %get3A_213] {strides = array<i32>} : memref<100x64xf32, #tpu.memory_space<vmem>>, vector<1x16xf32>,
        %get3A_215 = vector.shape_cast %get3A_214 : vector<1x16xf32> to vector<16xf32>
        %mul3A_216 = arith.mulf %get3A_215, %get3A_215 : vector<16xf32>
        %add3A_217 = arith.addf %add3A_191, %mul3A_216 : vector<16xf32>
        %get3A_218 = arith.index_cast %scan3A_211 : i32 to index
        %get3A_219 = arith.constant 16 : index
        %get3A_220 = tpu.vector_load %arg8[%get3A_218, %get3A_219] {strides = array<i32>} : memref<100x64xf32, #tpu.memory_space<vmem>>, vector<1x16xf32>,
        %get3A_221 = vector.shape_cast %get3A_220 : vector<1x16xf32> to vector<16xf32>
        %mul3A_222 = arith.mulf %get3A_221, %get3A_221 : vector<16xf32>
        %add3A_223 = arith.addf %add3A_197, %mul3A_222 : vector<16xf32>
        %get3A_224 = arith.index_cast %scan3A_211 : i32 to index
        %get3A_225 = arith.constant 32 : index
        %get3A_226 = tpu.vector_load %arg8[%get3A_224, %get3A_225] {strides = array<i32>} : memref<100x64xf32, #tpu.memory_space<vmem>>, vector<1x16xf32>,
        %get3A_227 = vector.shape_cast %get3A_226 : vector<1x16xf32> to vector<16xf32>
        %mul3A_228 = arith.mulf %get3A_227, %get3A_227 : vector<16xf32>
        %add3A_229 = arith.addf %add3A_203, %mul3A_228 : vector<16xf32>
        %get3A_230 = arith.index_cast %scan3A_211 : i32 to index
        %get3A_231 = arith.constant 48 : index
        %get3A_232 = tpu.vector_load %arg8[%get3A_230, %get3A_231] {strides = array<i32>} : memref<100x64xf32, #tpu.memory_space<vmem>>, vector<1x16xf32>,
        %get3A_233 = vector.shape_cast %get3A_232 : vector<1x16xf32> to vector<16xf32>
        %mul3A_234 = arith.mulf %get3A_233, %get3A_233 : vector<16xf32>
        %add3A_235 = arith.addf %add3A_209, %mul3A_234 : vector<16xf32>
        %scan3A_236 = arith.constant 2 : i32
        %scan3A_237 = arith.addi %scan3A_182, %scan3A_236 : i32
        %get3A_238 = arith.index_cast %scan3A_237 : i32 to index
        %get3A_239 = arith.constant 0 : index
        %get3A_240 = tpu.vector_load %arg8[%get3A_238, %get3A_239] {strides = array<i32>} : memref<100x64xf32, #tpu.memory_space<vmem>>, vector<1x16xf32>,
        %get3A_241 = vector.shape_cast %get3A_240 : vector<1x16xf32> to vector<16xf32>
        %mul3A_242 = arith.mulf %get3A_241, %get3A_241 : vector<16xf32>
        %add3A_243 = arith.addf %add3A_217, %mul3A_242 : vector<16xf32>
        %get3A_244 = arith.index_cast %scan3A_237 : i32 to index
        %get3A_245 = arith.constant 16 : index
        %get3A_246 = tpu.vector_load %arg8[%get3A_244, %get3A_245] {strides = array<i32>} : memref<100x64xf32, #tpu.memory_space<vmem>>, vector<1x16xf32>,
        %get3A_247 = vector.shape_cast %get3A_246 : vector<1x16xf32> to vector<16xf32>
        %mul3A_248 = arith.mulf %get3A_247, %get3A_247 : vector<16xf32>
        %add3A_249 = arith.addf %add3A_223, %mul3A_248 : vector<16xf32>
        %get3A_250 = arith.index_cast %scan3A_237 : i32 to index
        %get3A_251 = arith.constant 32 : index
        %get3A_252 = tpu.vector_load %arg8[%get3A_250, %get3A_251] {strides = array<i32>} : memref<100x64xf32, #tpu.memory_space<vmem>>, vector<1x16xf32>,
        %get3A_253 = vector.shape_cast %get3A_252 : vector<1x16xf32> to vector<16xf32>
        %mul3A_254 = arith.mulf %get3A_253, %get3A_253 : vector<16xf32>
        %add3A_255 = arith.addf %add3A_229, %mul3A_254 : vector<16xf32>
        %get3A_256 = arith.index_cast %scan3A_237 : i32 to index
        %get3A_257 = arith.constant 48 : index
        %get3A_258 = tpu.vector_load %arg8[%get3A_256, %get3A_257] {strides = array<i32>} : memref<100x64xf32, #tpu.memory_space<vmem>>, vector<1x16xf32>,
        %get3A_259 = vector.shape_cast %get3A_258 : vector<1x16xf32> to vector<16xf32>
        %mul3A_260 = arith.mulf %get3A_259, %get3A_259 : vector<16xf32>
        %add3A_261 = arith.addf %add3A_235, %mul3A_260 : vector<16xf32>
        %scan3A_262 = arith.constant 3 : i32
        %scan3A_263 = arith.addi %scan3A_182, %scan3A_262 : i32
        %get3A_264 = arith.index_cast %scan3A_263 : i32 to index
        %get3A_265 = arith.constant 0 : index
        %get3A_266 = tpu.vector_load %arg8[%get3A_264, %get3A_265] {strides = array<i32>} : memref<100x64xf32, #tpu.memory_space<vmem>>, vector<1x16xf32>,
        %get3A_267 = vector.shape_cast %get3A_266 : vector<1x16xf32> to vector<16xf32>
        %mul3A_268 = arith.mulf %get3A_267, %get3A_267 : vector<16xf32>
        %add3A_269 = arith.addf %add3A_243, %mul3A_268 : vector<16xf32>
        %get3A_270 = arith.index_cast %scan3A_263 : i32 to index
        %get3A_271 = arith.constant 16 : index
        %get3A_272 = tpu.vector_load %arg8[%get3A_270, %get3A_271] {strides = array<i32>} : memref<100x64xf32, #tpu.memory_space<vmem>>, vector<1x16xf32>,
        %get3A_273 = vector.shape_cast %get3A_272 : vector<1x16xf32> to vector<16xf32>
        %mul3A_274 = arith.mulf %get3A_273, %get3A_273 : vector<16xf32>
        %add3A_275 = arith.addf %add3A_249, %mul3A_274 : vector<16xf32>
        %get3A_276 = arith.index_cast %scan3A_263 : i32 to index
        %get3A_277 = arith.constant 32 : index
        %get3A_278 = tpu.vector_load %arg8[%get3A_276, %get3A_277] {strides = array<i32>} : memref<100x64xf32, #tpu.memory_space<vmem>>, vector<1x16xf32>,
        %get3A_279 = vector.shape_cast %get3A_278 : vector<1x16xf32> to vector<16xf32>
        %mul3A_280 = arith.mulf %get3A_279, %get3A_279 : vector<16xf32>
        %add3A_281 = arith.addf %add3A_255, %mul3A_280 : vector<16xf32>
        %get3A_282 = arith.index_cast %scan3A_263 : i32 to index
        %get3A_283 = arith.constant 48 : index
        %get3A_284 = tpu.vector_load %arg8[%get3A_282, %get3A_283] {strides = array<i32>} : memref<100x64xf32, #tpu.memory_space<vmem>>, vector<1x16xf32>,
        %get3A_285 = vector.shape_cast %get3A_284 : vector<1x16xf32> to vector<16xf32>
        %mul3A_286 = arith.mulf %get3A_285, %get3A_285 : vector<16xf32>
        %add3A_287 = arith.addf %add3A_261, %mul3A_286 : vector<16xf32>
        scf.yield %add3A_269, %add3A_275, %add3A_281, %add3A_287 : vector<16xf32>, vector<16xf32>, vector<16xf32>, vector<16xf32>
      }
      %scan3A_81 = arith.constant 100 : i32
      %add3A_82 = arith.constant 4 : i32
      %add3A_83 = arith.addi %add3A_69, %add3A_82 : i32
      %lt3A_84 = arith.constant 256 : i32
      %lt3A_85 = arith.cmpi slt, %add3A_83, %lt3A_84 : i32
      %convert_element_type3A_86 = arith.extui %lt3A_85 : i1 to i32
      %cond3A_87 = arith.constant 0 : i32
      %cond3A_88 = arith.cmpi ne, %convert_element_type3A_86, %cond3A_87 : i32
      scf.if %cond3A_88 {
        %add3A_182 = arith.constant 4 : i32
        %add3A_183 = arith.addi %add3A_69, %add3A_182 : i32
        %dma_start3A_184 = arith.constant 0 : i32
        %dma_start3A_185 = tpu.memref_slice %arg5[%add3A_183, %dma_start3A_184] : memref<256x100xi32, #tpu.memory_space<vmem>> -> memref<1x100xi32, #tpu.memory_space<vmem>>
        %dma_start3A_186 = tpu.memref_squeeze %dma_start3A_185 : memref<1x100xi32, #tpu.memory_space<vmem>> -> memref<100xi32, #tpu.memory_space<vmem>>
        %dma_start3A_187 = arith.constant 0 : i32
        %dma_start3A_188 = arith.constant 0 : i32
        %dma_start3A_189 = tpu.memref_slice %arg3[%dma_start3A_187, %dma_start3A_188] : memref<100000x64xf32, #tpu.memory_space<hbm>> -> memref<100000x64xf32, #tpu.memory_space<hbm>>
        tpu.enqueue_indirect_dma source(%dma_start3A_189 : memref<100000x64xf32, #tpu.memory_space<hbm>>) target(%arg8 : memref<100x64xf32, #tpu.memory_space<vmem>>) offsets(%dma_start3A_186 : memref<100xi32, #tpu.memory_space<vmem>>) semaphore(%arg12 : memref<!tpu.dma_semaphore, #tpu.memory_space<semaphore_mem>>)
      } else {
      }
      %mul3A_89 = arith.constant 2 : i32
      %mul3A_90 = arith.muli %scan3A_44, %mul3A_89 : i32
      %add3A_91 = arith.constant 0 : i32
      %add3A_92 = arith.addi %mul3A_90, %add3A_91 : i32
      %swap3A = arith.index_cast %add3A_92 : i32 to index
      %swap3A_93 = arith.constant 0 : index
      %swap3A_94 = tpu.vector_load %arg6[%swap3A, %swap3A_93] {strides = array<i32>} : memref<128x64xf32, #tpu.memory_space<vmem>>, vector<1x16xf32>,
      %swap3A_95 = vector.shape_cast %swap3A_94 : vector<1x16xf32> to vector<16xf32>
      %swap3A_96 = vector.shape_cast %scan3A_80#0 : vector<16xf32> to vector<1x16xf32>
      tpu.vector_store %arg6[%swap3A, %swap3A_93], %swap3A_96 {strides = array<i32>} : memref<128x64xf32, #tpu.memory_space<vmem>>, vector<1x16xf32>,
      %swap3A_97 = arith.index_cast %add3A_92 : i32 to index
      %swap3A_98 = arith.constant 16 : index
      %swap3A_99 = tpu.vector_load %arg6[%swap3A_97, %swap3A_98] {strides = array<i32>} : memref<128x64xf32, #tpu.memory_space<vmem>>, vector<1x16xf32>,
      %swap3A_100 = vector.shape_cast %swap3A_99 : vector<1x16xf32> to vector<16xf32>
      %swap3A_101 = vector.shape_cast %scan3A_80#1 : vector<16xf32> to vector<1x16xf32>
      tpu.vector_store %arg6[%swap3A_97, %swap3A_98], %swap3A_101 {strides = array<i32>} : memref<128x64xf32, #tpu.memory_space<vmem>>, vector<1x16xf32>,
      %swap3A_102 = arith.index_cast %add3A_92 : i32 to index
      %swap3A_103 = arith.constant 32 : index
      %swap3A_104 = tpu.vector_load %arg6[%swap3A_102, %swap3A_103] {strides = array<i32>} : memref<128x64xf32, #tpu.memory_space<vmem>>, vector<1x16xf32>,
      %swap3A_105 = vector.shape_cast %swap3A_104 : vector<1x16xf32> to vector<16xf32>
      %swap3A_106 = vector.shape_cast %scan3A_80#2 : vector<16xf32> to vector<1x16xf32>
      tpu.vector_store %arg6[%swap3A_102, %swap3A_103], %swap3A_106 {strides = array<i32>} : memref<128x64xf32, #tpu.memory_space<vmem>>, vector<1x16xf32>,
      %swap3A_107 = arith.index_cast %add3A_92 : i32 to index
      %swap3A_108 = arith.constant 48 : index
      %swap3A_109 = tpu.vector_load %arg6[%swap3A_107, %swap3A_108] {strides = array<i32>} : memref<128x64xf32, #tpu.memory_space<vmem>>, vector<1x16xf32>,
      %swap3A_110 = vector.shape_cast %swap3A_109 : vector<1x16xf32> to vector<16xf32>
      %swap3A_111 = vector.shape_cast %scan3A_80#3 : vector<16xf32> to vector<1x16xf32>
      tpu.vector_store %arg6[%swap3A_107, %swap3A_108], %swap3A_111 {strides = array<i32>} : memref<128x64xf32, #tpu.memory_space<vmem>>, vector<1x16xf32>,
      %add3A_112 = arith.constant 2 : i32
      %add3A_113 = arith.addi %mul3A_46, %add3A_112 : i32
      %add3A_114 = arith.constant 0 : i32
      %add3A_115 = arith.addi %add3A_113, %add3A_114 : i32
      %dma_wait3A_116 = arith.constant 0 : i32
      %dma_wait3A_117 = tpu.memref_slice %arg5[%add3A_115, %dma_wait3A_116] : memref<256x100xi32, #tpu.memory_space<vmem>> -> memref<1x100xi32, #tpu.memory_space<vmem>>
      %dma_wait3A_118 = tpu.memref_squeeze %dma_wait3A_117 : memref<1x100xi32, #tpu.memory_space<vmem>> -> memref<100xi32, #tpu.memory_space<vmem>>
      %dma_wait3A_119 = arith.constant 0 : i32
      %dma_wait3A_120 = arith.constant 0 : i32
      %dma_wait3A_121 = tpu.memref_slice %arg3[%dma_wait3A_119, %dma_wait3A_120] : memref<100000x64xf32, #tpu.memory_space<hbm>> -> memref<100000x64xf32, #tpu.memory_space<hbm>>
      tpu.wait_indirect_dma semaphore(%arg13 : memref<!tpu.dma_semaphore, #tpu.memory_space<semaphore_mem>>) src(%dma_wait3A_121 : memref<100000x64xf32, #tpu.memory_space<hbm>>) dst(%arg9 : memref<100x64xf32, #tpu.memory_space<vmem>>)
      %scan3A_122 = arith.constant 0 : i32
      %scan3A_123 = arith.constant 100 : i32
      %scan3A_124 = arith.addi %scan3A_122, %scan3A_123 : i32
      %scan3A_125 = arith.constant 4 : i32
      %scan3A_126:4 = scf.for %scan3A_182 = %scan3A_122 to %scan3A_124 step %scan3A_125 iter_args(%scan3A_183 = %broadcast_in_dim3A_30, %scan3A_184 = %broadcast_in_dim3A_32, %scan3A_185 = %broadcast_in_dim3A_34, %scan3A_186 = %broadcast_in_dim3A_36) -> (vector<16xf32>, vector<16xf32>, vector<16xf32>, vector<16xf32>)  : i32 {
        %get3A = arith.index_cast %scan3A_182 : i32 to index
        %get3A_187 = arith.constant 0 : index
        %get3A_188 = tpu.vector_load %arg9[%get3A, %get3A_187] {strides = array<i32>} : memref<100x64xf32, #tpu.memory_space<vmem>>, vector<1x16xf32>,
        %get3A_189 = vector.shape_cast %get3A_188 : vector<1x16xf32> to vector<16xf32>
        %mul3A_190 = arith.mulf %get3A_189, %get3A_189 : vector<16xf32>
        %add3A_191 = arith.addf %scan3A_183, %mul3A_190 : vector<16xf32>
        %get3A_192 = arith.index_cast %scan3A_182 : i32 to index
        %get3A_193 = arith.constant 16 : index
        %get3A_194 = tpu.vector_load %arg9[%get3A_192, %get3A_193] {strides = array<i32>} : memref<100x64xf32, #tpu.memory_space<vmem>>, vector<1x16xf32>,
        %get3A_195 = vector.shape_cast %get3A_194 : vector<1x16xf32> to vector<16xf32>
        %mul3A_196 = arith.mulf %get3A_195, %get3A_195 : vector<16xf32>
        %add3A_197 = arith.addf %scan3A_184, %mul3A_196 : vector<16xf32>
        %get3A_198 = arith.index_cast %scan3A_182 : i32 to index
        %get3A_199 = arith.constant 32 : index
        %get3A_200 = tpu.vector_load %arg9[%get3A_198, %get3A_199] {strides = array<i32>} : memref<100x64xf32, #tpu.memory_space<vmem>>, vector<1x16xf32>,
        %get3A_201 = vector.shape_cast %get3A_200 : vector<1x16xf32> to vector<16xf32>
        %mul3A_202 = arith.mulf %get3A_201, %get3A_201 : vector<16xf32>
        %add3A_203 = arith.addf %scan3A_185, %mul3A_202 : vector<16xf32>
        %get3A_204 = arith.index_cast %scan3A_182 : i32 to index
        %get3A_205 = arith.constant 48 : index
        %get3A_206 = tpu.vector_load %arg9[%get3A_204, %get3A_205] {strides = array<i32>} : memref<100x64xf32, #tpu.memory_space<vmem>>, vector<1x16xf32>,
        %get3A_207 = vector.shape_cast %get3A_206 : vector<1x16xf32> to vector<16xf32>
        %mul3A_208 = arith.mulf %get3A_207, %get3A_207 : vector<16xf32>
        %add3A_209 = arith.addf %scan3A_186, %mul3A_208 : vector<16xf32>
        %scan3A_210 = arith.constant 1 : i32
        %scan3A_211 = arith.addi %scan3A_182, %scan3A_210 : i32
        %get3A_212 = arith.index_cast %scan3A_211 : i32 to index
        %get3A_213 = arith.constant 0 : index
        %get3A_214 = tpu.vector_load %arg9[%get3A_212, %get3A_213] {strides = array<i32>} : memref<100x64xf32, #tpu.memory_space<vmem>>, vector<1x16xf32>,
        %get3A_215 = vector.shape_cast %get3A_214 : vector<1x16xf32> to vector<16xf32>
        %mul3A_216 = arith.mulf %get3A_215, %get3A_215 : vector<16xf32>
        %add3A_217 = arith.addf %add3A_191, %mul3A_216 : vector<16xf32>
        %get3A_218 = arith.index_cast %scan3A_211 : i32 to index
        %get3A_219 = arith.constant 16 : index
        %get3A_220 = tpu.vector_load %arg9[%get3A_218, %get3A_219] {strides = array<i32>} : memref<100x64xf32, #tpu.memory_space<vmem>>, vector<1x16xf32>,
        %get3A_221 = vector.shape_cast %get3A_220 : vector<1x16xf32> to vector<16xf32>
        %mul3A_222 = arith.mulf %get3A_221, %get3A_221 : vector<16xf32>
        %add3A_223 = arith.addf %add3A_197, %mul3A_222 : vector<16xf32>
        %get3A_224 = arith.index_cast %scan3A_211 : i32 to index
        %get3A_225 = arith.constant 32 : index
        %get3A_226 = tpu.vector_load %arg9[%get3A_224, %get3A_225] {strides = array<i32>} : memref<100x64xf32, #tpu.memory_space<vmem>>, vector<1x16xf32>,
        %get3A_227 = vector.shape_cast %get3A_226 : vector<1x16xf32> to vector<16xf32>
        %mul3A_228 = arith.mulf %get3A_227, %get3A_227 : vector<16xf32>
        %add3A_229 = arith.addf %add3A_203, %mul3A_228 : vector<16xf32>
        %get3A_230 = arith.index_cast %scan3A_211 : i32 to index
        %get3A_231 = arith.constant 48 : index
        %get3A_232 = tpu.vector_load %arg9[%get3A_230, %get3A_231] {strides = array<i32>} : memref<100x64xf32, #tpu.memory_space<vmem>>, vector<1x16xf32>,
        %get3A_233 = vector.shape_cast %get3A_232 : vector<1x16xf32> to vector<16xf32>
        %mul3A_234 = arith.mulf %get3A_233, %get3A_233 : vector<16xf32>
        %add3A_235 = arith.addf %add3A_209, %mul3A_234 : vector<16xf32>
        %scan3A_236 = arith.constant 2 : i32
        %scan3A_237 = arith.addi %scan3A_182, %scan3A_236 : i32
        %get3A_238 = arith.index_cast %scan3A_237 : i32 to index
        %get3A_239 = arith.constant 0 : index
        %get3A_240 = tpu.vector_load %arg9[%get3A_238, %get3A_239] {strides = array<i32>} : memref<100x64xf32, #tpu.memory_space<vmem>>, vector<1x16xf32>,
        %get3A_241 = vector.shape_cast %get3A_240 : vector<1x16xf32> to vector<16xf32>
        %mul3A_242 = arith.mulf %get3A_241, %get3A_241 : vector<16xf32>
        %add3A_243 = arith.addf %add3A_217, %mul3A_242 : vector<16xf32>
        %get3A_244 = arith.index_cast %scan3A_237 : i32 to index
        %get3A_245 = arith.constant 16 : index
        %get3A_246 = tpu.vector_load %arg9[%get3A_244, %get3A_245] {strides = array<i32>} : memref<100x64xf32, #tpu.memory_space<vmem>>, vector<1x16xf32>,
        %get3A_247 = vector.shape_cast %get3A_246 : vector<1x16xf32> to vector<16xf32>
        %mul3A_248 = arith.mulf %get3A_247, %get3A_247 : vector<16xf32>
        %add3A_249 = arith.addf %add3A_223, %mul3A_248 : vector<16xf32>
        %get3A_250 = arith.index_cast %scan3A_237 : i32 to index
        %get3A_251 = arith.constant 32 : index
        %get3A_252 = tpu.vector_load %arg9[%get3A_250, %get3A_251] {strides = array<i32>} : memref<100x64xf32, #tpu.memory_space<vmem>>, vector<1x16xf32>,
        %get3A_253 = vector.shape_cast %get3A_252 : vector<1x16xf32> to vector<16xf32>
        %mul3A_254 = arith.mulf %get3A_253, %get3A_253 : vector<16xf32>
        %add3A_255 = arith.addf %add3A_229, %mul3A_254 : vector<16xf32>
        %get3A_256 = arith.index_cast %scan3A_237 : i32 to index
        %get3A_257 = arith.constant 48 : index
        %get3A_258 = tpu.vector_load %arg9[%get3A_256, %get3A_257] {strides = array<i32>} : memref<100x64xf32, #tpu.memory_space<vmem>>, vector<1x16xf32>,
        %get3A_259 = vector.shape_cast %get3A_258 : vector<1x16xf32> to vector<16xf32>
        %mul3A_260 = arith.mulf %get3A_259, %get3A_259 : vector<16xf32>
        %add3A_261 = arith.addf %add3A_235, %mul3A_260 : vector<16xf32>
        %scan3A_262 = arith.constant 3 : i32
        %scan3A_263 = arith.addi %scan3A_182, %scan3A_262 : i32
        %get3A_264 = arith.index_cast %scan3A_263 : i32 to index
        %get3A_265 = arith.constant 0 : index
        %get3A_266 = tpu.vector_load %arg9[%get3A_264, %get3A_265] {strides = array<i32>} : memref<100x64xf32, #tpu.memory_space<vmem>>, vector<1x16xf32>,
        %get3A_267 = vector.shape_cast %get3A_266 : vector<1x16xf32> to vector<16xf32>
        %mul3A_268 = arith.mulf %get3A_267, %get3A_267 : vector<16xf32>
        %add3A_269 = arith.addf %add3A_243, %mul3A_268 : vector<16xf32>
        %get3A_270 = arith.index_cast %scan3A_263 : i32 to index
        %get3A_271 = arith.constant 16 : index
        %get3A_272 = tpu.vector_load %arg9[%get3A_270, %get3A_271] {strides = array<i32>} : memref<100x64xf32, #tpu.memory_space<vmem>>, vector<1x16xf32>,
        %get3A_273 = vector.shape_cast %get3A_272 : vector<1x16xf32> to vector<16xf32>
        %mul3A_274 = arith.mulf %get3A_273, %get3A_273 : vector<16xf32>
        %add3A_275 = arith.addf %add3A_249, %mul3A_274 : vector<16xf32>
        %get3A_276 = arith.index_cast %scan3A_263 : i32 to index
        %get3A_277 = arith.constant 32 : index
        %get3A_278 = tpu.vector_load %arg9[%get3A_276, %get3A_277] {strides = array<i32>} : memref<100x64xf32, #tpu.memory_space<vmem>>, vector<1x16xf32>,
        %get3A_279 = vector.shape_cast %get3A_278 : vector<1x16xf32> to vector<16xf32>
        %mul3A_280 = arith.mulf %get3A_279, %get3A_279 : vector<16xf32>
        %add3A_281 = arith.addf %add3A_255, %mul3A_280 : vector<16xf32>
        %get3A_282 = arith.index_cast %scan3A_263 : i32 to index
        %get3A_283 = arith.constant 48 : index
        %get3A_284 = tpu.vector_load %arg9[%get3A_282, %get3A_283] {strides = array<i32>} : memref<100x64xf32, #tpu.memory_space<vmem>>, vector<1x16xf32>,
        %get3A_285 = vector.shape_cast %get3A_284 : vector<1x16xf32> to vector<16xf32>
        %mul3A_286 = arith.mulf %get3A_285, %get3A_285 : vector<16xf32>
        %add3A_287 = arith.addf %add3A_261, %mul3A_286 : vector<16xf32>
        scf.yield %add3A_269, %add3A_275, %add3A_281, %add3A_287 : vector<16xf32>, vector<16xf32>, vector<16xf32>, vector<16xf32>
      }
      %scan3A_127 = arith.constant 100 : i32
      %add3A_128 = arith.constant 4 : i32
      %add3A_129 = arith.addi %add3A_115, %add3A_128 : i32
      %lt3A_130 = arith.constant 256 : i32
      %lt3A_131 = arith.cmpi slt, %add3A_129, %lt3A_130 : i32
      %convert_element_type3A_132 = arith.extui %lt3A_131 : i1 to i32
      %cond3A_133 = arith.constant 0 : i32
      %cond3A_134 = arith.cmpi ne, %convert_element_type3A_132, %cond3A_133 : i32
      scf.if %cond3A_134 {
        %add3A_182 = arith.constant 4 : i32
        %add3A_183 = arith.addi %add3A_115, %add3A_182 : i32
        %dma_start3A_184 = arith.constant 0 : i32
        %dma_start3A_185 = tpu.memref_slice %arg5[%add3A_183, %dma_start3A_184] : memref<256x100xi32, #tpu.memory_space<vmem>> -> memref<1x100xi32, #tpu.memory_space<vmem>>
        %dma_start3A_186 = tpu.memref_squeeze %dma_start3A_185 : memref<1x100xi32, #tpu.memory_space<vmem>> -> memref<100xi32, #tpu.memory_space<vmem>>
        %dma_start3A_187 = arith.constant 0 : i32
        %dma_start3A_188 = arith.constant 0 : i32
        %dma_start3A_189 = tpu.memref_slice %arg3[%dma_start3A_187, %dma_start3A_188] : memref<100000x64xf32, #tpu.memory_space<hbm>> -> memref<100000x64xf32, #tpu.memory_space<hbm>>
        tpu.enqueue_indirect_dma source(%dma_start3A_189 : memref<100000x64xf32, #tpu.memory_space<hbm>>) target(%arg9 : memref<100x64xf32, #tpu.memory_space<vmem>>) offsets(%dma_start3A_186 : memref<100xi32, #tpu.memory_space<vmem>>) semaphore(%arg13 : memref<!tpu.dma_semaphore, #tpu.memory_space<semaphore_mem>>)
      } else {
      }
      %add3A_135 = arith.constant 2 : i32
      %add3A_136 = arith.addi %mul3A_46, %add3A_135 : i32
      %add3A_137 = arith.constant 1 : i32
      %add3A_138 = arith.addi %add3A_136, %add3A_137 : i32
      %dma_wait3A_139 = arith.constant 0 : i32
      %dma_wait3A_140 = tpu.memref_slice %arg5[%add3A_138, %dma_wait3A_139] : memref<256x100xi32, #tpu.memory_space<vmem>> -> memref<1x100xi32, #tpu.memory_space<vmem>>
      %dma_wait3A_141 = tpu.memref_squeeze %dma_wait3A_140 : memref<1x100xi32, #tpu.memory_space<vmem>> -> memref<100xi32, #tpu.memory_space<vmem>>
      %dma_wait3A_142 = arith.constant 0 : i32
      %dma_wait3A_143 = arith.constant 0 : i32
      %dma_wait3A_144 = tpu.memref_slice %arg3[%dma_wait3A_142, %dma_wait3A_143] : memref<100000x64xf32, #tpu.memory_space<hbm>> -> memref<100000x64xf32, #tpu.memory_space<hbm>>
      tpu.wait_indirect_dma semaphore(%arg14 : memref<!tpu.dma_semaphore, #tpu.memory_space<semaphore_mem>>) src(%dma_wait3A_144 : memref<100000x64xf32, #tpu.memory_space<hbm>>) dst(%arg10 : memref<100x64xf32, #tpu.memory_space<vmem>>)
      %scan3A_145 = arith.constant 0 : i32
      %scan3A_146 = arith.constant 100 : i32
      %scan3A_147 = arith.addi %scan3A_145, %scan3A_146 : i32
      %scan3A_148 = arith.constant 4 : i32
      %scan3A_149:4 = scf.for %scan3A_182 = %scan3A_145 to %scan3A_147 step %scan3A_148 iter_args(%scan3A_183 = %scan3A_126#0, %scan3A_184 = %scan3A_126#1, %scan3A_185 = %scan3A_126#2, %scan3A_186 = %scan3A_126#3) -> (vector<16xf32>, vector<16xf32>, vector<16xf32>, vector<16xf32>)  : i32 {
        %get3A = arith.index_cast %scan3A_182 : i32 to index
        %get3A_187 = arith.constant 0 : index
        %get3A_188 = tpu.vector_load %arg10[%get3A, %get3A_187] {strides = array<i32>} : memref<100x64xf32, #tpu.memory_space<vmem>>, vector<1x16xf32>,
        %get3A_189 = vector.shape_cast %get3A_188 : vector<1x16xf32> to vector<16xf32>
        %mul3A_190 = arith.mulf %get3A_189, %get3A_189 : vector<16xf32>
        %add3A_191 = arith.addf %scan3A_183, %mul3A_190 : vector<16xf32>
        %get3A_192 = arith.index_cast %scan3A_182 : i32 to index
        %get3A_193 = arith.constant 16 : index
        %get3A_194 = tpu.vector_load %arg10[%get3A_192, %get3A_193] {strides = array<i32>} : memref<100x64xf32, #tpu.memory_space<vmem>>, vector<1x16xf32>,
        %get3A_195 = vector.shape_cast %get3A_194 : vector<1x16xf32> to vector<16xf32>
        %mul3A_196 = arith.mulf %get3A_195, %get3A_195 : vector<16xf32>
        %add3A_197 = arith.addf %scan3A_184, %mul3A_196 : vector<16xf32>
        %get3A_198 = arith.index_cast %scan3A_182 : i32 to index
        %get3A_199 = arith.constant 32 : index
        %get3A_200 = tpu.vector_load %arg10[%get3A_198, %get3A_199] {strides = array<i32>} : memref<100x64xf32, #tpu.memory_space<vmem>>, vector<1x16xf32>,
        %get3A_201 = vector.shape_cast %get3A_200 : vector<1x16xf32> to vector<16xf32>
        %mul3A_202 = arith.mulf %get3A_201, %get3A_201 : vector<16xf32>
        %add3A_203 = arith.addf %scan3A_185, %mul3A_202 : vector<16xf32>
        %get3A_204 = arith.index_cast %scan3A_182 : i32 to index
        %get3A_205 = arith.constant 48 : index
        %get3A_206 = tpu.vector_load %arg10[%get3A_204, %get3A_205] {strides = array<i32>} : memref<100x64xf32, #tpu.memory_space<vmem>>, vector<1x16xf32>,
        %get3A_207 = vector.shape_cast %get3A_206 : vector<1x16xf32> to vector<16xf32>
        %mul3A_208 = arith.mulf %get3A_207, %get3A_207 : vector<16xf32>
        %add3A_209 = arith.addf %scan3A_186, %mul3A_208 : vector<16xf32>
        %scan3A_210 = arith.constant 1 : i32
        %scan3A_211 = arith.addi %scan3A_182, %scan3A_210 : i32
        %get3A_212 = arith.index_cast %scan3A_211 : i32 to index
        %get3A_213 = arith.constant 0 : index
        %get3A_214 = tpu.vector_load %arg10[%get3A_212, %get3A_213] {strides = array<i32>} : memref<100x64xf32, #tpu.memory_space<vmem>>, vector<1x16xf32>,
        %get3A_215 = vector.shape_cast %get3A_214 : vector<1x16xf32> to vector<16xf32>
        %mul3A_216 = arith.mulf %get3A_215, %get3A_215 : vector<16xf32>
        %add3A_217 = arith.addf %add3A_191, %mul3A_216 : vector<16xf32>
        %get3A_218 = arith.index_cast %scan3A_211 : i32 to index
        %get3A_219 = arith.constant 16 : index
        %get3A_220 = tpu.vector_load %arg10[%get3A_218, %get3A_219] {strides = array<i32>} : memref<100x64xf32, #tpu.memory_space<vmem>>, vector<1x16xf32>,
        %get3A_221 = vector.shape_cast %get3A_220 : vector<1x16xf32> to vector<16xf32>
        %mul3A_222 = arith.mulf %get3A_221, %get3A_221 : vector<16xf32>
        %add3A_223 = arith.addf %add3A_197, %mul3A_222 : vector<16xf32>
        %get3A_224 = arith.index_cast %scan3A_211 : i32 to index
        %get3A_225 = arith.constant 32 : index
        %get3A_226 = tpu.vector_load %arg10[%get3A_224, %get3A_225] {strides = array<i32>} : memref<100x64xf32, #tpu.memory_space<vmem>>, vector<1x16xf32>,
        %get3A_227 = vector.shape_cast %get3A_226 : vector<1x16xf32> to vector<16xf32>
        %mul3A_228 = arith.mulf %get3A_227, %get3A_227 : vector<16xf32>
        %add3A_229 = arith.addf %add3A_203, %mul3A_228 : vector<16xf32>
        %get3A_230 = arith.index_cast %scan3A_211 : i32 to index
        %get3A_231 = arith.constant 48 : index
        %get3A_232 = tpu.vector_load %arg10[%get3A_230, %get3A_231] {strides = array<i32>} : memref<100x64xf32, #tpu.memory_space<vmem>>, vector<1x16xf32>,
        %get3A_233 = vector.shape_cast %get3A_232 : vector<1x16xf32> to vector<16xf32>
        %mul3A_234 = arith.mulf %get3A_233, %get3A_233 : vector<16xf32>
        %add3A_235 = arith.addf %add3A_209, %mul3A_234 : vector<16xf32>
        %scan3A_236 = arith.constant 2 : i32
        %scan3A_237 = arith.addi %scan3A_182, %scan3A_236 : i32
        %get3A_238 = arith.index_cast %scan3A_237 : i32 to index
        %get3A_239 = arith.constant 0 : index
        %get3A_240 = tpu.vector_load %arg10[%get3A_238, %get3A_239] {strides = array<i32>} : memref<100x64xf32, #tpu.memory_space<vmem>>, vector<1x16xf32>,
        %get3A_241 = vector.shape_cast %get3A_240 : vector<1x16xf32> to vector<16xf32>
        %mul3A_242 = arith.mulf %get3A_241, %get3A_241 : vector<16xf32>
        %add3A_243 = arith.addf %add3A_217, %mul3A_242 : vector<16xf32>
        %get3A_244 = arith.index_cast %scan3A_237 : i32 to index
        %get3A_245 = arith.constant 16 : index
        %get3A_246 = tpu.vector_load %arg10[%get3A_244, %get3A_245] {strides = array<i32>} : memref<100x64xf32, #tpu.memory_space<vmem>>, vector<1x16xf32>,
        %get3A_247 = vector.shape_cast %get3A_246 : vector<1x16xf32> to vector<16xf32>
        %mul3A_248 = arith.mulf %get3A_247, %get3A_247 : vector<16xf32>
        %add3A_249 = arith.addf %add3A_223, %mul3A_248 : vector<16xf32>
        %get3A_250 = arith.index_cast %scan3A_237 : i32 to index
        %get3A_251 = arith.constant 32 : index
        %get3A_252 = tpu.vector_load %arg10[%get3A_250, %get3A_251] {strides = array<i32>} : memref<100x64xf32, #tpu.memory_space<vmem>>, vector<1x16xf32>,
        %get3A_253 = vector.shape_cast %get3A_252 : vector<1x16xf32> to vector<16xf32>
        %mul3A_254 = arith.mulf %get3A_253, %get3A_253 : vector<16xf32>
        %add3A_255 = arith.addf %add3A_229, %mul3A_254 : vector<16xf32>
        %get3A_256 = arith.index_cast %scan3A_237 : i32 to index
        %get3A_257 = arith.constant 48 : index
        %get3A_258 = tpu.vector_load %arg10[%get3A_256, %get3A_257] {strides = array<i32>} : memref<100x64xf32, #tpu.memory_space<vmem>>, vector<1x16xf32>,
        %get3A_259 = vector.shape_cast %get3A_258 : vector<1x16xf32> to vector<16xf32>
        %mul3A_260 = arith.mulf %get3A_259, %get3A_259 : vector<16xf32>
        %add3A_261 = arith.addf %add3A_235, %mul3A_260 : vector<16xf32>
        %scan3A_262 = arith.constant 3 : i32
        %scan3A_263 = arith.addi %scan3A_182, %scan3A_262 : i32
        %get3A_264 = arith.index_cast %scan3A_263 : i32 to index
        %get3A_265 = arith.constant 0 : index
        %get3A_266 = tpu.vector_load %arg10[%get3A_264, %get3A_265] {strides = array<i32>} : memref<100x64xf32, #tpu.memory_space<vmem>>, vector<1x16xf32>,
        %get3A_267 = vector.shape_cast %get3A_266 : vector<1x16xf32> to vector<16xf32>
        %mul3A_268 = arith.mulf %get3A_267, %get3A_267 : vector<16xf32>
        %add3A_269 = arith.addf %add3A_243, %mul3A_268 : vector<16xf32>
        %get3A_270 = arith.index_cast %scan3A_263 : i32 to index
        %get3A_271 = arith.constant 16 : index
        %get3A_272 = tpu.vector_load %arg10[%get3A_270, %get3A_271] {strides = array<i32>} : memref<100x64xf32, #tpu.memory_space<vmem>>, vector<1x16xf32>,
        %get3A_273 = vector.shape_cast %get3A_272 : vector<1x16xf32> to vector<16xf32>
        %mul3A_274 = arith.mulf %get3A_273, %get3A_273 : vector<16xf32>
        %add3A_275 = arith.addf %add3A_249, %mul3A_274 : vector<16xf32>
        %get3A_276 = arith.index_cast %scan3A_263 : i32 to index
        %get3A_277 = arith.constant 32 : index
        %get3A_278 = tpu.vector_load %arg10[%get3A_276, %get3A_277] {strides = array<i32>} : memref<100x64xf32, #tpu.memory_space<vmem>>, vector<1x16xf32>,
        %get3A_279 = vector.shape_cast %get3A_278 : vector<1x16xf32> to vector<16xf32>
        %mul3A_280 = arith.mulf %get3A_279, %get3A_279 : vector<16xf32>
        %add3A_281 = arith.addf %add3A_255, %mul3A_280 : vector<16xf32>
        %get3A_282 = arith.index_cast %scan3A_263 : i32 to index
        %get3A_283 = arith.constant 48 : index
        %get3A_284 = tpu.vector_load %arg10[%get3A_282, %get3A_283] {strides = array<i32>} : memref<100x64xf32, #tpu.memory_space<vmem>>, vector<1x16xf32>,
        %get3A_285 = vector.shape_cast %get3A_284 : vector<1x16xf32> to vector<16xf32>
        %mul3A_286 = arith.mulf %get3A_285, %get3A_285 : vector<16xf32>
        %add3A_287 = arith.addf %add3A_261, %mul3A_286 : vector<16xf32>
        scf.yield %add3A_269, %add3A_275, %add3A_281, %add3A_287 : vector<16xf32>, vector<16xf32>, vector<16xf32>, vector<16xf32>
      }
      %scan3A_150 = arith.constant 100 : i32
      %add3A_151 = arith.constant 4 : i32
      %add3A_152 = arith.addi %add3A_138, %add3A_151 : i32
      %lt3A_153 = arith.constant 256 : i32
      %lt3A_154 = arith.cmpi slt, %add3A_152, %lt3A_153 : i32
      %convert_element_type3A_155 = arith.extui %lt3A_154 : i1 to i32
      %cond3A_156 = arith.constant 0 : i32
      %cond3A_157 = arith.cmpi ne, %convert_element_type3A_155, %cond3A_156 : i32
      scf.if %cond3A_157 {
        %add3A_182 = arith.constant 4 : i32
        %add3A_183 = arith.addi %add3A_138, %add3A_182 : i32
        %dma_start3A_184 = arith.constant 0 : i32
        %dma_start3A_185 = tpu.memref_slice %arg5[%add3A_183, %dma_start3A_184] : memref<256x100xi32, #tpu.memory_space<vmem>> -> memref<1x100xi32, #tpu.memory_space<vmem>>
        %dma_start3A_186 = tpu.memref_squeeze %dma_start3A_185 : memref<1x100xi32, #tpu.memory_space<vmem>> -> memref<100xi32, #tpu.memory_space<vmem>>
        %dma_start3A_187 = arith.constant 0 : i32
        %dma_start3A_188 = arith.constant 0 : i32
        %dma_start3A_189 = tpu.memref_slice %arg3[%dma_start3A_187, %dma_start3A_188] : memref<100000x64xf32, #tpu.memory_space<hbm>> -> memref<100000x64xf32, #tpu.memory_space<hbm>>
        tpu.enqueue_indirect_dma source(%dma_start3A_189 : memref<100000x64xf32, #tpu.memory_space<hbm>>) target(%arg10 : memref<100x64xf32, #tpu.memory_space<vmem>>) offsets(%dma_start3A_186 : memref<100xi32, #tpu.memory_space<vmem>>) semaphore(%arg14 : memref<!tpu.dma_semaphore, #tpu.memory_space<semaphore_mem>>)
      } else {
      }
      %mul3A_158 = arith.constant 2 : i32
      %mul3A_159 = arith.muli %scan3A_44, %mul3A_158 : i32
      %add3A_160 = arith.constant 1 : i32
      %add3A_161 = arith.addi %mul3A_159, %add3A_160 : i32
      %swap3A_162 = arith.index_cast %add3A_161 : i32 to index
      %swap3A_163 = arith.constant 0 : index
      %swap3A_164 = tpu.vector_load %arg6[%swap3A_162, %swap3A_163] {strides = array<i32>} : memref<128x64xf32, #tpu.memory_space<vmem>>, vector<1x16xf32>,
      %swap3A_165 = vector.shape_cast %swap3A_164 : vector<1x16xf32> to vector<16xf32>
      %swap3A_166 = vector.shape_cast %scan3A_149#0 : vector<16xf32> to vector<1x16xf32>
      tpu.vector_store %arg6[%swap3A_162, %swap3A_163], %swap3A_166 {strides = array<i32>} : memref<128x64xf32, #tpu.memory_space<vmem>>, vector<1x16xf32>,
      %swap3A_167 = arith.index_cast %add3A_161 : i32 to index
      %swap3A_168 = arith.constant 16 : index
      %swap3A_169 = tpu.vector_load %arg6[%swap3A_167, %swap3A_168] {strides = array<i32>} : memref<128x64xf32, #tpu.memory_space<vmem>>, vector<1x16xf32>,
      %swap3A_170 = vector.shape_cast %swap3A_169 : vector<1x16xf32> to vector<16xf32>
      %swap3A_171 = vector.shape_cast %scan3A_149#1 : vector<16xf32> to vector<1x16xf32>
      tpu.vector_store %arg6[%swap3A_167, %swap3A_168], %swap3A_171 {strides = array<i32>} : memref<128x64xf32, #tpu.memory_space<vmem>>, vector<1x16xf32>,
      %swap3A_172 = arith.index_cast %add3A_161 : i32 to index
      %swap3A_173 = arith.constant 32 : index
      %swap3A_174 = tpu.vector_load %arg6[%swap3A_172, %swap3A_173] {strides = array<i32>} : memref<128x64xf32, #tpu.memory_space<vmem>>, vector<1x16xf32>,
      %swap3A_175 = vector.shape_cast %swap3A_174 : vector<1x16xf32> to vector<16xf32>
      %swap3A_176 = vector.shape_cast %scan3A_149#2 : vector<16xf32> to vector<1x16xf32>
      tpu.vector_store %arg6[%swap3A_172, %swap3A_173], %swap3A_176 {strides = array<i32>} : memref<128x64xf32, #tpu.memory_space<vmem>>, vector<1x16xf32>,
      %swap3A_177 = arith.index_cast %add3A_161 : i32 to index
      %swap3A_178 = arith.constant 48 : index
      %swap3A_179 = tpu.vector_load %arg6[%swap3A_177, %swap3A_178] {strides = array<i32>} : memref<128x64xf32, #tpu.memory_space<vmem>>, vector<1x16xf32>,
      %swap3A_180 = vector.shape_cast %swap3A_179 : vector<1x16xf32> to vector<16xf32>
      %swap3A_181 = vector.shape_cast %scan3A_149#3 : vector<16xf32> to vector<1x16xf32>
      tpu.vector_store %arg6[%swap3A_177, %swap3A_178], %swap3A_181 {strides = array<i32>} : memref<128x64xf32, #tpu.memory_space<vmem>>, vector<1x16xf32>,
    }
    %scan3A_41 = arith.constant 64 : i32
    %mul3A_42 = arith.constant 128 : i32
    %mul3A_43 = arith.muli %add3A, %mul3A_42 : i32
    "tpu.region"() ({
      %run_scoped3A = tpu.sem_alloc : memref<!tpu.dma_semaphore, #tpu.memory_space<semaphore_mem>>
      %dma_start3A_44 = arith.constant 0 : i32
      %dma_start3A_45 = tpu.memref_slice %arg4[%mul3A_43, %dma_start3A_44] : memref<4096x64xf32, #tpu.memory_space<hbm>> -> memref<128x64xf32, #tpu.memory_space<hbm>>
      %dma_start3A_46 = arith.constant 0 : i32
      %dma_start3A_47 = tpu.memref_slice %arg4[%mul3A_43, %dma_start3A_46] : memref<4096x64xf32, #tpu.memory_space<hbm>> -> memref<128x64xf32, #tpu.memory_space<hbm>>
      tpu.enqueue_dma source(%arg6 : memref<128x64xf32, #tpu.memory_space<vmem>>) target(%dma_start3A_47 : memref<128x64xf32, #tpu.memory_space<hbm>>) target_semaphore(%run_scoped3A : memref<!tpu.dma_semaphore, #tpu.memory_space<semaphore_mem>>)
      %dma_wait3A = arith.constant 0 : i32
      %dma_wait3A_48 = tpu.memref_slice %arg4[%mul3A_43, %dma_wait3A] : memref<4096x64xf32, #tpu.memory_space<hbm>> -> memref<128x64xf32, #tpu.memory_space<hbm>>
      %dma_wait3A_49 = arith.constant 0 : i32
      %dma_wait3A_50 = tpu.memref_slice %arg4[%mul3A_43, %dma_wait3A_49] : memref<4096x64xf32, #tpu.memory_space<hbm>> -> memref<128x64xf32, #tpu.memory_space<hbm>>
      tpu.wait_dma2 semaphore(%run_scoped3A : memref<!tpu.dma_semaphore, #tpu.memory_space<semaphore_mem>>) src(%arg6 : memref<128x64xf32, #tpu.memory_space<vmem>>) dst(%dma_wait3A_50 : memref<128x64xf32, #tpu.memory_space<hbm>>)
      tpu.yield
    }) : () -> ()
    return
  }
}

module attributes {stable_mosaic.version = 14 : i64} {
  func.func @body(%arg0: i32, %arg1: memref<1024x64xf32, #tpu.memory_space<vmem>>, %arg2: memref<64x64xf32, #tpu.memory_space<vmem>>, %arg3: memref<1024x64xf32, #tpu.memory_space<vmem>>) attributes {dimension_semantics = [#tpu.dimension_semantics<arbitrary>], iteration_bounds = array<i64: 4>, scalar_prefetch = 0 : i64, scratch_operands = 0 : i64, tpu.core_type = #tpu.core_type<tc>, window_params = [{transform_indices = @transform_0, window_bounds = array<i64: 1024, 64>}, {pipeline_mode = #tpu.pipeline_mode<synchronous>, transform_indices = @transform_1, window_bounds = array<i64: 64, 64>}, {transform_indices = @transform_2, window_bounds = array<i64: 1024, 64>}]} {
    %get3A = arith.constant 0 : index
    %get3A_0 = arith.constant 0 : index
    %get3A_1 = vector.load %arg1[%get3A, %get3A_0] : memref<1024x64xf32, #tpu.memory_space<vmem>>, vector<1024x64xf32>
    %get3A_2 = arith.constant 0 : index
    %get3A_3 = arith.constant 0 : index
    %get3A_4 = vector.load %arg2[%get3A_2, %get3A_3] : memref<64x64xf32, #tpu.memory_space<vmem>>, vector<64x64xf32>
    %dot_general3A = arith.constant dense<0.000000e+00> : vector<1024x64xf32>
    %dot_general3A_5 = tpu.matmul %get3A_1, %get3A_4, %dot_general3A {dimension_numbers = #tpu.dot_dimension_numbers<[1], [0], [0], [1], [0, 0, 1, 1], [], []>, transpose_lhs_hint = false} : vector<1024x64xf32>, vector<64x64xf32>, vector<1024x64xf32> -> vector<1024x64xf32>
    %swap3A = arith.constant 0 : index
    %swap3A_6 = arith.constant 0 : index
    %swap3A_7 = vector.load %arg3[%swap3A, %swap3A_6] : memref<1024x64xf32, #tpu.memory_space<vmem>>, vector<1024x64xf32>
    tpu.vector_store %arg3[%swap3A, %swap3A_6], %dot_general3A_5 {strides = array<i32>} : memref<1024x64xf32, #tpu.memory_space<vmem>>, vector<1024x64xf32>,
    return
  }
  func.func @transform_0(%arg0: i32) -> (i32, i32) {
    %c0_i32 = arith.constant 0 : i32
    %c0_i32_0 = arith.constant 0 : i32
    return %arg0, %c0_i32 : i32, i32
  }
  func.func @transform_1(%arg0: i32) -> (i32, i32) {
    %c0_i32 = arith.constant 0 : i32
    %c0_i32_0 = arith.constant 0 : i32
    %c0_i32_1 = arith.constant 0 : i32
    return %c0_i32, %c0_i32_0 : i32, i32
  }
  func.func @transform_2(%arg0: i32) -> (i32, i32) {
    %c0_i32 = arith.constant 0 : i32
    %c0_i32_0 = arith.constant 0 : i32
    return %arg0, %c0_i32 : i32, i32
  }
}

</mosaic_0001>

<sc_bundles>
// kernel: kernel.4.cloned.1.call-start
scs
__scs_entry_jumppad:
0x0: {  	(pc) =	sbr.rel $0x88, $3  }
0x1: {  	(tag) =	ssettag $0x0;
	lr =	simm.s32 $0x1  }
0x2: {  	[smem:$0x3F9E] =	sst lr;
	_ =	strace $0xD0000000  }
0x3: {  	_ = 	snop  }
0x4: {  	_ = 	snop  }
0x5: {  	_ = 	snop  }
0x6: {  	_ = 	snop  }
0x7: {  	_ = 	snop  }
__scs_overlays_trampoline_lowered:
0x8: {  	[smem:$0x3FAD] =	sst s0  }
0x9: {  	[smem:$0x3FAE] =	sst s1  }
0xa: {  	[smem:$0x3FAF] =	sst s2  }
0xb: {  	[smem:$0x3FB0] =	sst s3  }
0xc: {  	[smem:$0x3FB1] =	sst s4  }
0xd: {  	[smem:$0x3FB2] =	sst s5  }
0xe: {  	[smem:$0x3FB3] =	sst s6  }
0xf: {  	[smem:$0x3FB4] =	sst s7  }
0x10: {  	[smem:$0x3FB5] =	sst s8  }
0x11: {  	[smem:$0x3FB6] =	sst s9;
	s0 =	simm.s32 @!p0 $0x0  }
0x12: {  	s1 =	sld [smem:$0x3F9C];
	s0 =	simm.s32 @p0 $0x1  }
0x13: {  	[smem:$0x3FB7] =	sst s0;
	s0 =	simm.s32 @!p1 $0x0  }
0x14: {  	s2 =	sld [smem:$0x3F9B];
	s0 =	simm.s32 @p1 $0x1  }
0x15: {  	[smem:$0x3FB8] =	sst s0;
	s0 =	simm.s32 @!p2 $0x0  }
0x16: {  	s3 =	sld [smem:$0x3FDB];
	s0 =	simm.s32 @p2 $0x1  }
0x17: {  	s4 =	simm.s32 $0x1BF5;
	[smem:$0x3FBA] =	sst s0  }
0x18: {  	s0 =	sld [smem:$0x3F9D];
	_ =	swait.ge [sflag:s4], $0x0  }
0x19: {  	s7 =	sld [smem:$0x3F9E]  }
0x1a: {  	s8 =	sadd.s32 $0xFFFFE003, lr  }
0x1b: {  	s9 =	sadd.s32 $0xFFFFFEF7, lr;
	s5 =	simm.s32 $0xFFFFFFFF;
	p2 =	slt.u32 s8, $0xFFFFF086  }
0x1c: {  	p1 =	slt.u32 s9, $0xF7A;
	s5 =	simm.s32 @!p2 $0x0  }
0x1d: {  	s5 =	simm.s32 @p1 $0x1;
	p0 =	seq.s32 s7, s2  }
0x1e: {  	s7 =	smul.u32 @!p0 $0xF7A, s2;
	p2 =	seq.s32 @!p0 s5, $0x0  }
0x1f: {  	s9 =	smul.u32 $0xF7A, s1;
	s8 =	simm.s32 @!p0 $0x1BF5;
	p2 =	por !p2, p0  }
0x20: {  	[sflag:s8] =	ssyncset.s32 @!p0 $0xFFFFF086;
	s6 =	sadd.s32 @!p0 s3, s7;
	s7 =	simm.s32 @!p0 $0x108  }
0x21: {  	s3 =	sadd.s32 s3, s9;
	s6 =	sadd.s32 @!p0 $0x88, s6;
	s7 =	simm.s32 @p2 $0x1082  }
0x22: {  	[simem:s7], [sflag:s8] =	dma.local @!p0 [hbm:s6], $0xF7A  }
0x23: {  	s9 =	sor.u32 $0xD0000000, s2;
	s6 =	simm.s32 $0x108;
	_ =	swait.ge @!p0 [sflag:s8], $0x0  }
0x24: {  	s3 =	sadd.s32 $0x88, s3;
	s6 =	simm.s32 @!p1 $0x1082;
	[sflag:s4] =	ssyncset.s32 $0xFFFFF086  }
0x25: {  	[simem:s6], [sflag:s4] =	dma.local [hbm:s3], $0xF7A  }
0x26: {  	[smem:$0x3F9E] =	sst s1;
	(tag) =	ssettag s2;
	_ =	strace s9  }
0x27: {  	s1 =	sld [smem:$0x3FAE]  }
0x28: {  	s2 =	sld [smem:$0x3FAF]  }
0x29: {  	s4 =	sld [smem:$0x3FB1]  }
0x2a: {  	p0 =	seq.s32 s5, $0x0;
	s5 =	sld [smem:$0x3FB2]  }
0x2b: {  	s6 =	sld [smem:$0x3FB3]  }
0x2c: {  	s7 =	sld [smem:$0x3FB4]  }
0x2d: {  	s3 =	simm.s32 $0x108;
	s8 =	sld [smem:$0x3FB5]  }
0x2e: {  	s3 =	simm.s32 @!p0 $0x1082;
	s9 =	sld [smem:$0x3FB6]  }
0x2f: {  	lr =	sadd.s32 s0, s3;
	s0 =	sld [smem:$0x3FAD]  }
0x30: {  	s3 =	sld [smem:$0x3FB0]  }
0x31: {  	[smem:$0x3FB9] =	sst s10  }
0x32: {  	s10 =	sld [smem:$0x3FB7];
	_ =	sdelay $0x3  }
0x33: {  	p0 =	seq.s32 s10, $0x1;
	s10 =	sld [smem:$0x3FB9];
	_ =	sdelay $0x3  }
0x34: {  	[smem:$0x3FB9] =	sst s10  }
0x35: {  	s10 =	sld [smem:$0x3FB8];
	_ =	sdelay $0x3  }
0x36: {  	p1 =	seq.s32 s10, $0x1;
	s10 =	sld [smem:$0x3FB9];
	_ =	sdelay $0x3  }
0x37: {  	[smem:$0x3FB9] =	sst s10  }
0x38: {  	s10 =	sld [smem:$0x3FBA]  }
0x39: {  	_ = 	snop;
	(pc) =	sbr.ind lr, $3  }
0x3a: {  	_ = 	snop  }
0x3b: {  	_ = 	snop  }
0x3c: {  	p2 =	seq.s32 s10, $0x1;
	s10 =	sld [smem:$0x3FB9]  }
0x3d: {  	_ =	shalt  }
0x3e: {  	_ =	shalt  }
0x3f: {  	_ =	shalt  }
0x40: {  	_ =	shalt  }
0x41: {  	_ =	shalt  }
0x42: {  	_ =	shalt  }
0x43: {  	_ =	shalt  }
0x44: {  	_ =	shalt  }
0x45: {  	_ =	shalt  }
0x46: {  	_ =	shalt  }
0x47: {  	_ =	shalt  }
0x48: {  	_ =	shalt  }
0x49: {  	_ =	shalt  }
0x4a: {  	_ =	shalt  }
0x4b: {  	_ =	shalt  }
0x4c: {  	_ =	shalt  }
0x4d: {  	_ =	shalt  }
0x4e: {  	_ =	shalt  }
0x4f: {  	_ =	shalt  }
0x50: {  	_ =	shalt  }
0x51: {  	_ =	shalt  }
0x52: {  	_ =	shalt  }
0x53: {  	_ =	shalt  }
0x54: {  	_ =	shalt  }
0x55: {  	_ =	shalt  }
0x56: {  	_ =	shalt  }
0x57: {  	_ =	shalt  }
0x58: {  	_ =	shalt  }
0x59: {  	_ =	shalt  }
0x5a: {  	_ =	shalt  }
0x5b: {  	_ =	shalt  }
0x5c: {  	_ =	shalt  }
0x5d: {  	_ =	shalt  }
0x5e: {  	_ =	shalt  }
0x5f: {  	_ =	shalt  }
0x60: {  	_ =	shalt  }
0x61: {  	_ =	shalt  }
0x62: {  	_ =	shalt  }
0x63: {  	_ =	shalt  }
0x64: {  	_ =	shalt  }
0x65: {  	_ =	shalt  }
0x66: {  	_ =	shalt  }
0x67: {  	_ =	shalt  }
0x68: {  	_ =	shalt  }
0x69: {  	_ =	shalt  }
0x6a: {  	_ =	shalt  }
0x6b: {  	_ =	shalt  }
0x6c: {  	_ =	shalt  }
0x6d: {  	_ =	shalt  }
0x6e: {  	_ =	shalt  }
0x6f: {  	_ =	shalt  }
0x70: {  	_ =	shalt  }
0x71: {  	_ =	shalt  }
0x72: {  	_ =	shalt  }
0x73: {  	_ =	shalt  }
0x74: {  	_ =	shalt  }
0x75: {  	_ =	shalt  }
0x76: {  	_ =	shalt  }
0x77: {  	_ =	shalt  }
0x78: {  	_ =	shalt  }
0x79: {  	_ =	shalt  }
0x7a: {  	_ =	shalt  }
0x7b: {  	_ =	shalt  }
0x7c: {  	_ =	shalt  }
0x7d: {  	_ =	shalt  }
0x7e: {  	_ =	shalt  }
0x7f: {  	_ =	shalt  }
0x80: {  	_ =	shalt  }
0x81: {  	_ =	shalt  }
0x82: {  	_ =	shalt  }
0x83: {  	_ =	shalt  }
0x84: {  	_ =	shalt  }
0x85: {  	_ =	shalt  }
0x86: {  	_ =	shalt  }
0x87: {  	_ =	shalt  }
.Lfunc_end0:
.L_simem_size_0:
called_computation_lowered:
.L_overlay_start_0:
0x88: {  	s2 =	sld [smem:$0x3FD9]  }
0x89: {  	s3 =	sld [smem:$0x3FFE];
	_ =	sdelay $0x1  }
0x8a: {  	s1 =	srdreg.scid  }
0x8b: {  	s0 =	sand.u32 $0x1, s1  }
0x8c: {  	s17 =	sshll.u32 s0, $0xA;
	s2 =	sadd.s32 s3, s2  }
0x8d: {  	s2 =	sadd.s32 s2, s17  }
0x8e: {  	[smem:$0x3FC5] =	sst s2  }
0x8f: {  	_ = 	snop  }
0x90: {  	s2 =	sld [smem:$0x3FD0];
	(tm) =	ssettm $0x1  }
0x91: {  	s18 =	sld [smem:$0x3FFB];
	_ =	sdelay $0x3  }
0x92: {  	_ =	strace s18  }
0x93: {  	s3 =	sld [smem:$0x3FFC];
	_ =	sdelay $0x3  }
0x94: {  	_ =	strace s3  }
0x95: {  	s3 =	sld [smem:$0x3FFD];
	_ =	sdelay $0x3  }
0x96: {  	_ =	strace s3  }
0x97: {  	_ =	strace $0x8FFFFFFF  }
0x98: {  	s19 =	sld [smem:$0x3FDB];
	_ =	sdelay $0x1  }
0x99: {  	s4 =	simm.s32 $_scs_section_size  }
0x9a: {  	s5 =	simm.s32 $_size__tile_overlayer_lowered;
	s6 =	simm.s32 $_tile_overlayer_lowered  }
0x9b: {  	s22 =	simm.s32 $0x1BFF;
	s21 =	sshll.u32 s6, $0x1;
	s3 =	sadd.s32 s4, s19  }
0x9c: {  	s7 =	simm.s32 $0x0;
	s20 =	sshll.u32 s5, $0x1;
	s5 =	sadd.s32 s21, s3  }
0x9d: {  	[timem:s7], [sflag:s22] =	dma.local [hbm:s5], s20  }
0x9e: {  	_ =	swait.ge [sflag:s22], s20  }
0x9f: {  	s4 =	ssub.s32 $0x0, s20;
	[sflag:s22] =	ssyncset.done $0x0  }
0xa0: {  	[sflag:s22] =	ssyncadd.s32 s4;
	_ =	sdelay $0x1  }
0xa1: {  	s23 =	simm.s32 $0x1B8B  }
0xa2: {  	_ =	swait.ge [sflag:s23], $0x1  }
0xa3: {  	[sflag:s23] =	ssyncset.done $0x0  }
0xa4: {  	s25 =	simm.s32 $0x1B8E;
	s24 =	sld [smem:$0x3FFE];
	[sflag:s23] =	ssyncadd.s32 $0xFFFFFFFF  }
0xa5: {  	s26 =	simm.s32 $execute0_lowered;
	[smem:$0x3FD2] =	sst s25  }
0xa6: {  	s5 =	sshll.u32 s26, $0x1;
	_ =	strace $0x80000046;
	[dreg:$0x1] =	wrdreg $0xFFFFFFFF  }
0xa7: {  	s28 =	simm.s32 $_size_execute0_lowered;
	s3 =	sadd.s32 s3, s5;
	[dreg:$0x0] =	wrdreg $0x0  }
0xa8: {  	s5 =	sshll.u32 s28, $0x1;
	[dreg:$0x2] =	wrdreg s3  }
0xa9: {  	[dreg:$0x3] =	wrdreg s5  }
0xaa: {  	[dreg:$0x4] =	wrdreg $0xC0  }
0xab: {  	_ =	task [dreg:s7], $0x5FFFF  }
0xac: {  	[dreg:$0x1] =	wrdreg $0xFFFFFFFF  }
0xad: {  	[dreg:$0x0] =	wrdreg $0x60  }
0xae: {  	[dreg:$0x2] =	wrdreg s24  }
0xaf: {  	[dreg:$0x3] =	wrdreg s2  }
0xb0: {  	[dreg:$0x4] =	wrdreg $0x9  }
0xb1: {  	_ =	task.clear_ibuf [dreg:s7], $0x5FFFF;
	_ =	strace $0x90000046  }
0xb2: {  	s29 =	simm.s32 $0x9;
	_ =	strace $0x80000048  }
0xb3: {  	_ =	swait.ge [sflag:s29], $0x1  }
0xb4: {  	[sflag:s29] =	ssyncadd.s32 $0xFFFFFFFF  }
0xb5: {  	_ =	strace $0x90000048  }
0xb6: {  	_ =	sfence  }
0xb7: {  	s30 =	sld [smem:$0x0];
	_ =	sdelay $0x2  }
0xb8: {  	s31 =	sshll.u32 s1, $0xD;
	s1 =	sshrl.u32 s1, $0x2  }
0xb9: {  	s3 =	sand.u32 $0x4000, s31;
	s1 =	sadd.s32 s1, s30  }
0xba: {  	s0 =	sor.u32 s3, s0;
	s1 =	sshll.u32 s1, $0x11  }
0xbb: {  	s0 =	sor.u32 s1, s0  }
0xbc: {  	s0 =	sadd.s32 $0x8F2B, s0  }
0xbd: {  	[sflag:s0] =	ssyncadd.remote.s32 $0x1  }
0xbe: {  	_ =	sfence.sel $0xFFFF  }
0xbf: {  	[dreg:$0x0] =	wrdreg $0xFFFFFFFF;
	(pc) =	sbr.abs _section_cstart, $3  }
0xc0: {  	[dreg:$0x1] =	wrdreg $0xFFFFFFFF  }
0xc1: {  	_ =	task.clear_ibuf [dreg:s7], $0x2FFFF;
	_ =	strace $0x9FFFFFFF  }
0xc2: {  	(tm) =	ssettm $0x7FFFFFFF  }
0xc3: {  	_ =	shalt  }
tec
execute0_lowered:
.L_overlay_start_1:
0x0: {  	(tag) =	ssettag $0x1  }
0x1: {  	s1 =	srdreg.scid;
	s3 =	rddreg [dreg:$0x0]  }
0x2: {  	s0 =	stileid.u32;
	s5 =	rddreg [dreg:$0x1]  }
0x3: {  	s2 =	simm.s32 $0x0;
	s9 =	simm.s32 $0x8800;
	s10 =	simm.s32 $0x68  }
0x4: {  	s11 =	simm.s32 $0xA100;
	s12 =	simm.s32 $0xD0;
	s13 =	simm.s32 $0xBA00  }
0x5: {  	s14 =	simm.s32 $0x138;
	s15 =	simm.s32 $0xD300;
	s16 =	simm.s32 $0x1  }
0x6: {  	s17 =	simm.s32 $0x2;
	s18 =	simm.s32 $0x3;
	s19 =	simm.s32 $0x4  }
0x7: {  	s20 =	simm.s32 $0x6800;
	s4 =	sand.u32 $0x1, s1;
	s1 =	rddreg [dreg:$0x2]  }
0x8: {  	s21 =	simm.s32 $0x0;
	s31 =	sshll.u32 s0, $0x1;
	[smem:$0x7FF] =	sst s2  }
.Ltmp0:
0x9: {  	s6 =	sor.u32 s4, s31;
	s4 =	ssub.s32 $0x2, s4;
	(pc) =	sbr.rel .LBB2_1-.Ltmp0, $4  }
0xa: {  	s7 =	smul.u32 $0xD00, s6;
	s8 =	sshrl.u32 s4, $0x1;
	s6 =	sshll.u32 s6, $0xA  }
0xb: {  	_ =	strace $0x80000047;
	s8 =	ssub.s32 s4, s8;
	s5 =	sadd.s32 s5, s6  }
0xc: {  	s7 =	sadd.s32 s7, s3;
	s3 =	sadd.s32 $0x187200, s3;
	s6 =	smax.u32 s8, $0x1  }
0xd: {  	s8 =	simm.s32 $0x64;
	s4 =	sadd.s32 $0x800, s7;
	s7 =	simm.s32 $0x5  }
.LBB2_12:
0xe: {  	[tilespmem:s23+$0x6840] =	vst v4  }
0xf: {  	[tilespmem:s23+$0x6850] =	vst v2;
	s21 =	sadd.s32 $0x1, s21  }
0x10: {  	[tilespmem:s23+$0x6860] =	vst v1;
	p0 =	sne.s32 s21, s6  }
.Ltmp1:
0x11: {  	[tilespmem:s23+$0x6870] =	vst v0;
	(pc) =	sbr.rel @!p0 .LBB2_13-.Ltmp1, $4  }
0x12: {  	[hbm4b:s5+s2] =	stream.linear.scatter [tilespmem:s20], [sflag:$0x5], $0x2000, $0x38;
	[tilespmem:$0xEC00] =	vst v63  }
0x13: {  	_ =	swait.ge [sflag:s7], $0x2000  }
0x14: {  	[sflag:s7] =	ssyncset.done $0x0  }
0x15: {  	[sflag:s7] =	ssyncadd.s32 $0xFFFFE000  }
.LBB2_1:
0x16: {  	[tilespmem:s2], [sflag:$0x5] =	stream.linear.gather [hbm4b:s4+s2], $0x6800, $0x38;
	[tilespmem:$0xEC00] =	vst v63  }
0x17: {  	_ =	swait.ge [sflag:s7], $0x6800  }
0x18: {  	[sflag:s7] =	ssyncset.done $0x0  }
0x19: {  	[sflag:s7] =	ssyncadd.s32 $0xFFFF9800  }
0x1a: {  	[tilespmem:s9], [sflag:$0x1] =	stream.indirect.gather [hbm4b:s3+s8], $0x40, s2, s8, $0xb8;
	[tilespmem:$0xEC00] =	vst v63  }
0x1b: {  	_ = 	snop  }
0x1c: {  	[tilespmem:s11], [sflag:$0x2] =	stream.indirect.gather [hbm4b:s3+s8], $0x40, s10, s8, $0xb8;
	[tilespmem:$0xEC00] =	vst v63  }
0x1d: {  	_ = 	snop  }
0x1e: {  	[tilespmem:s13], [sflag:$0x3] =	stream.indirect.gather [hbm4b:s3+s8], $0x40, s12, s8, $0xb8;
	[tilespmem:$0xEC00] =	vst v63  }
0x1f: {  	s22 =	simm.s32 $0x0  }
0x20: {  	[tilespmem:s15], [sflag:$0x4] =	stream.indirect.gather [hbm4b:s3+s8], $0x40, s14, s8, $0xb8;
	[tilespmem:$0xEC00] =	vst v63  }
.LBB2_2:
0x21: {  	_ =	swait.ge [sflag:s16], $0x1900  }
0x22: {  	[sflag:s16] =	ssyncset.done $0x0  }
0x23: {  	s24 =	simm.s32 $0x8880;
	[sflag:s16] =	ssyncadd.s32 $0xFFFFE700  }
0x24: {  	v0 =	vld [tilespmem:s24+$0x40]  }
0x25: {  	v2 =	vld [tilespmem:s24+$0x50]  }
0x26: {  	v3 =	vld [tilespmem:s24+$0x0]  }
0x27: {  	v4 =	vld [tilespmem:s24+$0x10]  }
0x28: {  	v5 =	vld [tilespmem:s24+$0xFFFFFFC0]  }
0x29: {  	v7 =	vld [tilespmem:s24+$0xFFFFFFD0]  }
0x2a: {  	v9 =	vld [tilespmem:s24+$0xFFFFFF80]  }
0x2b: {  	v12 =	vld [tilespmem:s24+$0xFFFFFF90]  }
0x2c: {  	v13 =	vld [tilespmem:s24+$0xFFFFFFA0]  }
0x2d: {  	v14 =	vld [tilespmem:s24+$0xFFFFFFB0]  }
0x2e: {  	v18 =	vld [tilespmem:s24+$0xFFFFFFE0];
	v1 =	vmul.f32 v0, v0  }
0x2f: {  	v0 =	vmul.f32 v2, v2;
	v3 =	vmul.f32 v3, v3  }
0x30: {  	v8 =	vld [tilespmem:s24+$0xFFFFFFF0];
	v2 =	vmul.f32 v4, v4;
	v10 =	vmul.f32 v5, v5  }
0x31: {  	v6 =	vld [tilespmem:s24+$0x20];
	v9 =	vmul.f32 v9, v9;
	v11 =	vmul.f32 v7, v7  }
0x32: {  	v12 =	vmul.f32 v12, v12;
	v7 =	vld [tilespmem:s24+$0x30];
	v16 =	vmul.f32 v13, v13  }
0x33: {  	v4 =	vimm.f32 $0.0e+00;
	v17 =	vmul.f32 v14, v14;
	v5 =	vld [tilespmem:s24+$0x60];
	v13 =	vmul.f32 v18, v18  }
0x34: {  	s23 =	simm.s32 $0x0;
	v14 =	vadd.f32 v9, v4;
	v15 =	vadd.f32 v12, v4;
	v9 =	vld [tilespmem:s24+$0x70];
	s24 =	simm.s32 $0x8980;
	v12 =	vimm.f32 $0.0e+00  }
.LBB2_3:
0x35: {  	v18 =	vld [tilespmem:s24+$0x40];
	v4 =	vadd.f32 v16, v4;
	v12 =	vadd.f32 v17, v12;
	v8 =	vmul.f32 v8, v8  }
0x36: {  	v16 =	vld [tilespmem:s24+$0x50];
	v10 =	vadd.f32 v10, v14;
	v11 =	vadd.f32 v11, v15;
	v6 =	vmul.f32 v6, v6  }
0x37: {  	v14 =	vld [tilespmem:s24+$0x0];
	v4 =	vadd.f32 v13, v4;
	v8 =	vadd.f32 v8, v12;
	v7 =	vmul.f32 v7, v7  }
0x38: {  	v13 =	vld [tilespmem:s24+$0x10];
	v3 =	vadd.f32 v3, v10;
	v2 =	vadd.f32 v2, v11;
	v5 =	vmul.f32 v5, v5  }
0x39: {  	v10 =	vld [tilespmem:s24+$0xFFFFFFC0];
	v4 =	vadd.f32 v6, v4;
	v6 =	vadd.f32 v7, v8;
	v7 =	vmul.f32 v9, v9  }
0x3a: {  	v9 =	vld [tilespmem:s24+$0xFFFFFFD0];
	v15 =	vadd.f32 v1, v3;
	v19 =	vadd.f32 v0, v2  }
0x3b: {  	v17 =	vld [tilespmem:s24+$0xFFFFFF80];
	v4 =	vadd.f32 v5, v4;
	v12 =	vadd.f32 v7, v6  }
0x3c: {  	v5 =	vld [tilespmem:s24+$0xFFFFFF90]  }
0x3d: {  	v20 =	vld [tilespmem:s24+$0xFFFFFFA0]  }
0x3e: {  	s23 =	sadd.s32 $0x4, s23;
	v21 =	vld [tilespmem:s24+$0xFFFFFFB0]  }
0x3f: {  	p0 =	slt.u32 s23, $0x60;
	v1 =	vmul.f32 v18, v18;
	v0 =	vmul.f32 v16, v16;
	v22 =	vld [tilespmem:s24+$0xFFFFFFE0]  }
.Ltmp2:
0x40: {  	v3 =	vmul.f32 v14, v14;
	v2 =	vmul.f32 v13, v13;
	v8 =	vld [tilespmem:s24+$0xFFFFFFF0];
	(pc) =	sbr.rel @p0 .LBB2_3-.Ltmp2, $4  }
0x41: {  	v10 =	vmul.f32 v10, v10;
	v11 =	vmul.f32 v9, v9;
	v6 =	vld [tilespmem:s24+$0x20]  }
0x42: {  	v9 =	vmul.f32 v17, v17;
	v13 =	vmul.f32 v5, v5;
	v7 =	vld [tilespmem:s24+$0x30]  }
0x43: {  	v16 =	vmul.f32 v20, v20;
	v17 =	vmul.f32 v21, v21;
	v5 =	vld [tilespmem:s24+$0x60]  }
0x44: {  	v14 =	vadd.f32 v9, v15;
	v15 =	vadd.f32 v13, v19;
	v13 =	vmul.f32 v22, v22;
	v9 =	vld [tilespmem:s24+$0x70];
	s24 =	sadd.s32 $0x100, s24  }
0x45: {  	p0 =	seq.s32 s22, $0x3F  }
0x46: {  	s23 =	smul.u32 @!p0 $0x680, s22;
	_ =	sdelay $0x1  }
0x47: {  	s24 =	sshra.s32 @!p0 s23, $0x2  }
0x48: {  	s25 =	simm.s32 @!p0 $0x64;
	s26 =	simm.s32 @!p0 $0x8800;
	s23 =	sadd.s32 @!p0 $0x1A0, s24  }
0x49: {  	[tilespmem:s26], [sflag:$0x1] =	stream.indirect.gather @!p0 [hbm4b:s3+s25], $0x40, s23, s25, $0xb8;
	[tilespmem:$0xEC00] =	vst v63  }
0x4a: {  	_ =	swait.ge [sflag:s17], $0x1900  }
0x4b: {  	[sflag:s17] =	ssyncset.done $0x0  }
0x4c: {  	s31 =	simm.s32 $0xA180;
	[sflag:s17] =	ssyncadd.s32 $0xFFFFE700  }
0x4d: {  	v18 =	vld [tilespmem:s31+$0x40]  }
0x4e: {  	v19 =	vld [tilespmem:s31+$0x50]  }
0x4f: {  	v20 =	vld [tilespmem:s31+$0x0]  }
0x50: {  	v21 =	vld [tilespmem:s31+$0x10]  }
0x51: {  	v22 =	vld [tilespmem:s31+$0xFFFFFFC0]  }
0x52: {  	v4 =	vadd.f32 v16, v4;
	v12 =	vadd.f32 v17, v12;
	v8 =	vmul.f32 v8, v8;
	v16 =	vld [tilespmem:s31+$0xFFFFFFD0]  }
0x53: {  	v10 =	vadd.f32 v10, v14;
	v11 =	vadd.f32 v11, v15;
	v14 =	vld [tilespmem:s31+$0xFFFFFF80]  }
0x54: {  	v6 =	vmul.f32 v6, v6;
	v4 =	vadd.f32 v13, v4;
	v8 =	vadd.f32 v8, v12;
	v13 =	vld [tilespmem:s31+$0xFFFFFF90]  }
0x55: {  	v10 =	vadd.f32 v3, v10;
	v3 =	vmul.f32 v7, v7;
	v7 =	vadd.f32 v2, v11;
	v15 =	vld [tilespmem:s31+$0xFFFFFFA0]  }
0x56: {  	v5 =	vmul.f32 v5, v5;
	v17 =	vadd.f32 v6, v4;
	v9 =	vmul.f32 v9, v9;
	v23 =	vld [tilespmem:s31+$0xFFFFFFB0]  }
0x57: {  	v8 =	vadd.f32 v3, v8;
	v24 =	vld [tilespmem:s31+$0xFFFFFFE0];
	v3 =	vmul.f32 v18, v18;
	v2 =	vmul.f32 v19, v19  }
0x58: {  	v6 =	vld [tilespmem:s31+$0xFFFFFFF0];
	v18 =	vadd.f32 v1, v10;
	v4 =	vmul.f32 v20, v20;
	v1 =	vmul.f32 v21, v21  }
0x59: {  	v11 =	vld [tilespmem:s31+$0x20];
	v19 =	vadd.f32 v0, v7;
	v12 =	vmul.f32 v22, v22;
	v10 =	vmul.f32 v16, v16  }
0x5a: {  	v0 =	vadd.f32 v5, v17;
	v16 =	vmul.f32 v14, v14;
	v13 =	vmul.f32 v13, v13;
	v7 =	vld [tilespmem:s31+$0x30]  }
0x5b: {  	v5 =	vadd.f32 v9, v8;
	v15 =	vmul.f32 v15, v15;
	v14 =	vmul.f32 v23, v23;
	v8 =	vld [tilespmem:s31+$0x60]  }
0x5c: {  	s23 =	simm.s32 $0x0;
	s25 =	simm.s32 $0xA280;
	v9 =	vld [tilespmem:s31+$0x70];
	v17 =	vadd.f32 v16, v18;
	v16 =	vadd.f32 v13, v19;
	v13 =	vmul.f32 v24, v24  }
.LBB2_5:
0x5d: {  	v18 =	vld [tilespmem:s25+$0x40];
	v0 =	vadd.f32 v15, v0;
	v5 =	vadd.f32 v14, v5;
	v6 =	vmul.f32 v6, v6  }
0x5e: {  	v14 =	vld [tilespmem:s25+$0x50];
	v12 =	vadd.f32 v12, v17;
	v10 =	vadd.f32 v10, v16;
	v11 =	vmul.f32 v11, v11  }
0x5f: {  	v15 =	vld [tilespmem:s25+$0x0];
	v0 =	vadd.f32 v13, v0;
	v5 =	vadd.f32 v6, v5;
	v6 =	vmul.f32 v7, v7  }
0x60: {  	v7 =	vld [tilespmem:s25+$0x10];
	v4 =	vadd.f32 v4, v12;
	v1 =	vadd.f32 v1, v10;
	v8 =	vmul.f32 v8, v8  }
0x61: {  	v10 =	vld [tilespmem:s25+$0xFFFFFFC0];
	v0 =	vadd.f32 v11, v0;
	v5 =	vadd.f32 v6, v5;
	v6 =	vmul.f32 v9, v9  }
0x62: {  	v9 =	vld [tilespmem:s25+$0xFFFFFFD0];
	v13 =	vadd.f32 v3, v4;
	v16 =	vadd.f32 v2, v1  }
0x63: {  	v17 =	vld [tilespmem:s25+$0xFFFFFF80];
	v0 =	vadd.f32 v8, v0;
	v5 =	vadd.f32 v6, v5  }
0x64: {  	v8 =	vld [tilespmem:s25+$0xFFFFFF90]  }
0x65: {  	v19 =	vld [tilespmem:s25+$0xFFFFFFA0]  }
0x66: {  	s23 =	sadd.s32 $0x4, s23;
	v20 =	vld [tilespmem:s25+$0xFFFFFFB0]  }
0x67: {  	p1 =	slt.u32 s23, $0x60;
	v3 =	vmul.f32 v18, v18;
	v2 =	vmul.f32 v14, v14;
	v21 =	vld [tilespmem:s25+$0xFFFFFFE0]  }
.Ltmp3:
0x68: {  	v4 =	vmul.f32 v15, v15;
	v1 =	vmul.f32 v7, v7;
	v6 =	vld [tilespmem:s25+$0xFFFFFFF0];
	(pc) =	sbr.rel @p1 .LBB2_5-.Ltmp3, $4  }
0x69: {  	v12 =	vmul.f32 v10, v10;
	v10 =	vmul.f32 v9, v9;
	v11 =	vld [tilespmem:s25+$0x20]  }
0x6a: {  	v9 =	vmul.f32 v17, v17;
	v18 =	vmul.f32 v8, v8;
	v7 =	vld [tilespmem:s25+$0x30]  }
0x6b: {  	v15 =	vmul.f32 v19, v19;
	v14 =	vmul.f32 v20, v20;
	v8 =	vld [tilespmem:s25+$0x60]  }
0x6c: {  	v17 =	vadd.f32 v9, v13;
	v16 =	vadd.f32 v18, v16;
	v13 =	vmul.f32 v21, v21;
	v9 =	vld [tilespmem:s25+$0x70];
	s25 =	sadd.s32 $0x100, s25  }
0x6d: {  	_ = 	snop  }
0x6e: {  	v0 =	vadd.f32 v15, v0;
	v12 =	vadd.f32 v12, v17  }
0x6f: {  	v5 =	vadd.f32 v14, v5;
	v6 =	vmul.f32 v6, v6;
	v10 =	vadd.f32 v10, v16  }
0x70: {  	s23 =	sadd.s32 @!p0 $0x208, s24;
	v11 =	vmul.f32 v11, v11;
	v0 =	vadd.f32 v13, v0;
	v4 =	vadd.f32 v4, v12  }
0x71: {  	s25 =	simm.s32 @!p0 $0x64;
	s26 =	simm.s32 @!p0 $0xA100;
	s30 =	sshll.u32 s22, $0x7;
	v5 =	vadd.f32 v6, v5;
	v6 =	vmul.f32 v7, v7;
	v1 =	vadd.f32 v1, v10  }
0x72: {  	[tilespmem:s26], [sflag:$0x2] =	stream.indirect.gather @!p0 [hbm4b:s3+s25], $0x40, s23, s25, $0xb8;
	v7 =	vmul.f32 v8, v8;
	v0 =	vadd.f32 v11, v0;
	v3 =	vadd.f32 v3, v4;
	[tilespmem:$0xEC00] =	vst v63  }
0x73: {  	s23 =	sand.u32 $0x3FFFFF80, s30;
	v4 =	vadd.f32 v6, v5;
	v5 =	vmul.f32 v9, v9;
	v1 =	vadd.f32 v2, v1  }
0x74: {  	v0 =	vadd.f32 v7, v0;
	[tilespmem:s23+$0x6800] =	vst v3  }
0x75: {  	v2 =	vadd.f32 v5, v4;
	[tilespmem:s23+$0x6810] =	vst v1  }
0x76: {  	[tilespmem:s23+$0x6820] =	vst v0  }
0x77: {  	[tilespmem:s23+$0x6830] =	vst v2  }
0x78: {  	_ =	swait.ge [sflag:s18], $0x1900  }
0x79: {  	[sflag:s18] =	ssyncset.done $0x0  }
0x7a: {  	s31 =	simm.s32 $0xBA80;
	[sflag:s18] =	ssyncadd.s32 $0xFFFFE700  }
0x7b: {  	v0 =	vld [tilespmem:s31+$0x40]  }
0x7c: {  	v2 =	vld [tilespmem:s31+$0x50]  }
0x7d: {  	v3 =	vld [tilespmem:s31+$0x0]  }
0x7e: {  	v4 =	vld [tilespmem:s31+$0x10]  }
0x7f: {  	v5 =	vld [tilespmem:s31+$0xFFFFFFC0]  }
0x80: {  	v7 =	vld [tilespmem:s31+$0xFFFFFFD0]  }
0x81: {  	v9 =	vld [tilespmem:s31+$0xFFFFFF80]  }
0x82: {  	v12 =	vld [tilespmem:s31+$0xFFFFFF90]  }
0x83: {  	v13 =	vld [tilespmem:s31+$0xFFFFFFA0]  }
0x84: {  	v14 =	vld [tilespmem:s31+$0xFFFFFFB0]  }
0x85: {  	v18 =	vld [tilespmem:s31+$0xFFFFFFE0];
	v1 =	vmul.f32 v0, v0  }
0x86: {  	v0 =	vmul.f32 v2, v2;
	v3 =	vmul.f32 v3, v3  }
0x87: {  	v8 =	vld [tilespmem:s31+$0xFFFFFFF0];
	v2 =	vmul.f32 v4, v4;
	v10 =	vmul.f32 v5, v5  }
0x88: {  	v6 =	vld [tilespmem:s31+$0x20];
	v9 =	vmul.f32 v9, v9;
	v11 =	vmul.f32 v7, v7  }
0x89: {  	v12 =	vmul.f32 v12, v12;
	v7 =	vld [tilespmem:s31+$0x30];
	v16 =	vmul.f32 v13, v13  }
0x8a: {  	v4 =	vimm.f32 $0.0e+00;
	v17 =	vmul.f32 v14, v14;
	v5 =	vld [tilespmem:s31+$0x60];
	v13 =	vmul.f32 v18, v18  }
0x8b: {  	s25 =	simm.s32 $0x0;
	s26 =	simm.s32 $0xBB80;
	v14 =	vadd.f32 v9, v4;
	v15 =	vadd.f32 v12, v4;
	v9 =	vld [tilespmem:s31+$0x70];
	v12 =	vimm.f32 $0.0e+00  }
.LBB2_7:
0x8c: {  	v18 =	vld [tilespmem:s26+$0x40];
	v4 =	vadd.f32 v16, v4;
	v12 =	vadd.f32 v17, v12;
	v8 =	vmul.f32 v8, v8  }
0x8d: {  	v16 =	vld [tilespmem:s26+$0x50];
	v10 =	vadd.f32 v10, v14;
	v11 =	vadd.f32 v11, v15;
	v6 =	vmul.f32 v6, v6  }
0x8e: {  	v14 =	vld [tilespmem:s26+$0x0];
	v4 =	vadd.f32 v13, v4;
	v8 =	vadd.f32 v8, v12;
	v7 =	vmul.f32 v7, v7  }
0x8f: {  	v13 =	vld [tilespmem:s26+$0x10];
	v3 =	vadd.f32 v3, v10;
	v2 =	vadd.f32 v2, v11;
	v5 =	vmul.f32 v5, v5  }
0x90: {  	v10 =	vld [tilespmem:s26+$0xFFFFFFC0];
	v4 =	vadd.f32 v6, v4;
	v6 =	vadd.f32 v7, v8;
	v7 =	vmul.f32 v9, v9  }
0x91: {  	v9 =	vld [tilespmem:s26+$0xFFFFFFD0];
	v15 =	vadd.f32 v1, v3;
	v19 =	vadd.f32 v0, v2  }
0x92: {  	v17 =	vld [tilespmem:s26+$0xFFFFFF80];
	v4 =	vadd.f32 v5, v4;
	v12 =	vadd.f32 v7, v6  }
0x93: {  	v5 =	vld [tilespmem:s26+$0xFFFFFF90]  }
0x94: {  	v20 =	vld [tilespmem:s26+$0xFFFFFFA0]  }
0x95: {  	s25 =	sadd.s32 $0x4, s25;
	v21 =	vld [tilespmem:s26+$0xFFFFFFB0]  }
0x96: {  	p1 =	slt.u32 s25, $0x60;
	v1 =	vmul.f32 v18, v18;
	v0 =	vmul.f32 v16, v16;
	v22 =	vld [tilespmem:s26+$0xFFFFFFE0]  }
.Ltmp4:
0x97: {  	v3 =	vmul.f32 v14, v14;
	v2 =	vmul.f32 v13, v13;
	v8 =	vld [tilespmem:s26+$0xFFFFFFF0];
	(pc) =	sbr.rel @p1 .LBB2_7-.Ltmp4, $4  }
0x98: {  	v10 =	vmul.f32 v10, v10;
	v11 =	vmul.f32 v9, v9;
	v6 =	vld [tilespmem:s26+$0x20]  }
0x99: {  	v9 =	vmul.f32 v17, v17;
	v13 =	vmul.f32 v5, v5;
	v7 =	vld [tilespmem:s26+$0x30]  }
0x9a: {  	v16 =	vmul.f32 v20, v20;
	v17 =	vmul.f32 v21, v21;
	v5 =	vld [tilespmem:s26+$0x60]  }
0x9b: {  	v14 =	vadd.f32 v9, v15;
	v15 =	vadd.f32 v13, v19;
	v13 =	vmul.f32 v22, v22;
	v9 =	vld [tilespmem:s26+$0x70];
	s26 =	sadd.s32 $0x100, s26  }
0x9c: {  	s24 =	sadd.s32 @!p0 $0x270, s24;
	s25 =	simm.s32 @!p0 $0x64;
	s26 =	simm.s32 @!p0 $0xBA00  }
0x9d: {  	[tilespmem:s26], [sflag:$0x3] =	stream.indirect.gather @!p0 [hbm4b:s3+s25], $0x40, s24, s25, $0xb8;
	[tilespmem:$0xEC00] =	vst v63  }
0x9e: {  	_ =	swait.ge [sflag:s19], $0x1900  }
0x9f: {  	[sflag:s19] =	ssyncset.done $0x0  }
0xa0: {  	s31 =	simm.s32 $0xD380;
	[sflag:s19] =	ssyncadd.s32 $0xFFFFE700  }
0xa1: {  	v18 =	vld [tilespmem:s31+$0x40]  }
0xa2: {  	v19 =	vld [tilespmem:s31+$0x50]  }
0xa3: {  	v20 =	vld [tilespmem:s31+$0x0]  }
0xa4: {  	v21 =	vld [tilespmem:s31+$0x10]  }
0xa5: {  	v22 =	vld [tilespmem:s31+$0xFFFFFFC0]  }
0xa6: {  	v4 =	vadd.f32 v16, v4;
	v12 =	vadd.f32 v17, v12;
	v8 =	vmul.f32 v8, v8;
	v16 =	vld [tilespmem:s31+$0xFFFFFFD0]  }
0xa7: {  	v10 =	vadd.f32 v10, v14;
	v11 =	vadd.f32 v11, v15;
	v14 =	vld [tilespmem:s31+$0xFFFFFF80]  }
0xa8: {  	v6 =	vmul.f32 v6, v6;
	v4 =	vadd.f32 v13, v4;
	v8 =	vadd.f32 v8, v12;
	v12 =	vld [tilespmem:s31+$0xFFFFFF90]  }
0xa9: {  	v10 =	vadd.f32 v3, v10;
	v3 =	vmul.f32 v7, v7;
	v7 =	vadd.f32 v2, v11;
	v11 =	vld [tilespmem:s31+$0xFFFFFFA0]  }
0xaa: {  	v5 =	vmul.f32 v5, v5;
	v13 =	vadd.f32 v6, v4;
	v15 =	vmul.f32 v9, v9;
	v17 =	vld [tilespmem:s31+$0xFFFFFFB0]  }
0xab: {  	v23 =	vadd.f32 v3, v8;
	v24 =	vld [tilespmem:s31+$0xFFFFFFE0];
	v2 =	vmul.f32 v18, v18;
	v3 =	vmul.f32 v19, v19  }
0xac: {  	v6 =	vld [tilespmem:s31+$0xFFFFFFF0];
	v18 =	vadd.f32 v1, v10;
	v1 =	vmul.f32 v20, v20;
	v4 =	vmul.f32 v21, v21  }
0xad: {  	v9 =	vld [tilespmem:s31+$0x20];
	v19 =	vadd.f32 v0, v7;
	v7 =	vmul.f32 v22, v22;
	v8 =	vmul.f32 v16, v16  }
0xae: {  	v0 =	vadd.f32 v5, v13;
	v13 =	vmul.f32 v14, v14;
	v12 =	vmul.f32 v12, v12;
	v10 =	vld [tilespmem:s31+$0x30]  }
0xaf: {  	v5 =	vadd.f32 v15, v23;
	v14 =	vmul.f32 v11, v11;
	v15 =	vmul.f32 v17, v17;
	v11 =	vld [tilespmem:s31+$0x60]  }
0xb0: {  	s24 =	simm.s32 $0x0;
	s25 =	simm.s32 $0xD480;
	v16 =	vadd.f32 v13, v18;
	v17 =	vadd.f32 v12, v19;
	v13 =	vmul.f32 v24, v24;
	v12 =	vld [tilespmem:s31+$0x70]  }
.LBB2_9:
0xb1: {  	v18 =	vld [tilespmem:s25+$0x40];
	v0 =	vadd.f32 v14, v0;
	v5 =	vadd.f32 v15, v5;
	v6 =	vmul.f32 v6, v6  }
0xb2: {  	v14 =	vld [tilespmem:s25+$0x50];
	v7 =	vadd.f32 v7, v16;
	v8 =	vadd.f32 v8, v17;
	v9 =	vmul.f32 v9, v9  }
0xb3: {  	v15 =	vld [tilespmem:s25+$0x0];
	v0 =	vadd.f32 v13, v0;
	v5 =	vadd.f32 v6, v5;
	v6 =	vmul.f32 v10, v10  }
0xb4: {  	v10 =	vld [tilespmem:s25+$0x10];
	v1 =	vadd.f32 v1, v7;
	v4 =	vadd.f32 v4, v8;
	v7 =	vmul.f32 v11, v11  }
0xb5: {  	v8 =	vld [tilespmem:s25+$0xFFFFFFC0];
	v0 =	vadd.f32 v9, v0;
	v5 =	vadd.f32 v6, v5;
	v6 =	vmul.f32 v12, v12  }
0xb6: {  	v9 =	vld [tilespmem:s25+$0xFFFFFFD0];
	v12 =	vadd.f32 v2, v1;
	v13 =	vadd.f32 v3, v4  }
0xb7: {  	v11 =	vld [tilespmem:s25+$0xFFFFFF80];
	v0 =	vadd.f32 v7, v0;
	v5 =	vadd.f32 v6, v5  }
0xb8: {  	v16 =	vld [tilespmem:s25+$0xFFFFFF90]  }
0xb9: {  	v17 =	vld [tilespmem:s25+$0xFFFFFFA0]  }
0xba: {  	s24 =	sadd.s32 $0x4, s24;
	v19 =	vld [tilespmem:s25+$0xFFFFFFB0]  }
0xbb: {  	p1 =	slt.u32 s24, $0x60;
	v2 =	vmul.f32 v18, v18;
	v3 =	vmul.f32 v14, v14;
	v20 =	vld [tilespmem:s25+$0xFFFFFFE0]  }
.Ltmp5:
0xbc: {  	v1 =	vmul.f32 v15, v15;
	v4 =	vmul.f32 v10, v10;
	v6 =	vld [tilespmem:s25+$0xFFFFFFF0];
	(pc) =	sbr.rel @p1 .LBB2_9-.Ltmp5, $4  }
0xbd: {  	v7 =	vmul.f32 v8, v8;
	v8 =	vmul.f32 v9, v9;
	v9 =	vld [tilespmem:s25+$0x20]  }
0xbe: {  	v18 =	vmul.f32 v11, v11;
	v21 =	vmul.f32 v16, v16;
	v10 =	vld [tilespmem:s25+$0x30]  }
0xbf: {  	v14 =	vmul.f32 v17, v17;
	v15 =	vmul.f32 v19, v19;
	v11 =	vld [tilespmem:s25+$0x60]  }
0xc0: {  	v16 =	vadd.f32 v18, v12;
	v17 =	vadd.f32 v21, v13;
	v13 =	vmul.f32 v20, v20;
	v12 =	vld [tilespmem:s25+$0x70];
	s25 =	sadd.s32 $0x100, s25  }
0xc1: {  	v0 =	vadd.f32 v14, v0;
	v5 =	vadd.f32 v15, v5;
	v6 =	vmul.f32 v6, v6  }
0xc2: {  	v7 =	vadd.f32 v7, v16;
	v8 =	vadd.f32 v8, v17;
	v9 =	vmul.f32 v9, v9  }
.Ltmp6:
0xc3: {  	v0 =	vadd.f32 v13, v0;
	v5 =	vadd.f32 v6, v5;
	v6 =	vmul.f32 v10, v10;
	(pc) =	sbr.rel @p0 .LBB2_12-.Ltmp6, $4  }
0xc4: {  	v1 =	vadd.f32 v1, v7;
	v7 =	vadd.f32 v4, v8;
	v63 =	vmul.f32 v11, v11  }
0xc5: {  	v0 =	vadd.f32 v9, v0;
	v5 =	vadd.f32 v6, v5;
	v6 =	vmul.f32 v12, v12  }
0xc6: {  	v4 =	vadd.f32 v2, v1;
	v2 =	vadd.f32 v3, v7  }
0xc7: {  	v1 =	vadd.f32 v63, v0;
	v0 =	vadd.f32 v6, v5  }
0xc8: {  	s24 =	smul.u32 $0x680, s22;
	_ =	sdelay $0x1  }
0xc9: {  	s24 =	sshra.s32 s24, $0x2  }
0xca: {  	s24 =	sadd.s32 $0x2D8, s24  }
0xcb: {  	[tilespmem:s15], [sflag:$0x4] =	stream.indirect.gather [hbm4b:s3+s8], $0x40, s24, s8, $0xb8;
	[tilespmem:$0xEC00] =	vst v63  }
.Ltmp7:
0xcc: {  	_ = 	snop;
	(pc) =	sbr.rel .LBB2_2-.Ltmp7, $4  }
0xcd: {  	[tilespmem:s23+$0x6840] =	vst v4  }
0xce: {  	[tilespmem:s23+$0x6850] =	vst v2  }
0xcf: {  	[tilespmem:s23+$0x6860] =	vst v1  }
0xd0: {  	s22 =	sadd.s32 $0x1, s22;
	[tilespmem:s23+$0x6870] =	vst v0  }
.LBB2_13:
0xd1: {  	_ =	sfence.sel $0x180000  }
0xd2: {  	[bflag:$0x0] =	sbarrier.arrive $0xFFFF  }
0xd3: {  	p0 =	sne.s32 s0, $0x0;
	_ =	strace $0x90000047  }
0xd4: {  	s0 =	sadd.s32 @!p0 $0x100000, s1;
	[bflag:$0x2] =	sbarrier.arrive $0xFFFF  }
0xd5: {  	[sflag:s0] =	ssyncadd.tile.s32 @!p0 $0x1;
	_ =	shalt  }
.Lfunc_end2:
_tile_overlayer_lowered:
.L_overlay_start_2:
0xd6: {  	(tag) =	ssettag $0x2  }
0xd7: {  	s0 =	rddreg [dreg:$0x0];
	s2 =	stileid.u32  }
0xd8: {  	s1 =	rddreg [dreg:$0x1];
	p0 =	sne.s32 s2, $0x0  }
0xd9: {  	s3 =	rddreg [dreg:$0x2];
	[bflag:$0x3] =	sbarrier.arrive $0xFFFF;
	s2 =	simm.s32 @!p0 $0x1C05  }
0xda: {  	[timem:s3], [sflag:s2] =	dma.local @!p0 [hbm:s0], s1  }
0xdb: {  	s0 =	simm.s32 @!p0 $0x5  }
0xdc: {  	_ =	swait.ge @!p0 [sflag:s0], s1  }
0xdd: {  	s1 =	ssub.s32 @!p0 $0x0, s1;
	[sflag:s0] =	ssyncset.done @!p0 $0x0  }
0xde: {  	[sflag:s0] =	ssyncadd.s32 @!p0 s1  }
0xdf: {  	[bflag:$0x3] =	sbarrier.arrive $0xFFFF  }
0xe0: {  	_ =	shalt  }

</sc_bundles>
